<compile_context>
chip_gen: v7x
topology: tpu7x:2x2x1
jax: 0.10.2.dev20260603
libtpu: 0.0.44.dev20260713+nightly
codegen_flags: <defaults>
</compile_context>

<pallas_src>
import functools

import jax
import jax.numpy as jnp
from jax import lax
from jax.experimental import pallas as pl
from jax.experimental.pallas import tpu as pltpu
from jax.experimental.pallas import tpu_sc as plsc

N_LEVELS = 16
HASHMAP_SIZE = 2 ** 19
GRID_SIZE = 512.0
MASK = HASHMAP_SIZE - 1
P2 = -1640531535
P3 = 805459861

N_POINTS = 262144
D_OUT = 2 * N_LEVELS
NC = 2
NS = 16
NW = NC * NS
BPW = N_POINTS // NW
CHUNK = 1024
GCH = 128
L = 16


def _sc_encode(xT, tabT):
    mesh = plsc.VectorSubcoreMesh(core_axis_name="c", subcore_axis_name="s")

    @functools.partial(
        pl.kernel,
        mesh=mesh,
        out_type=jax.ShapeDtypeStruct((N_POINTS, D_OUT), jnp.float32),
        compiler_params=pltpu.CompilerParams(
            use_tc_tiling_on_sc=False, needs_layout_passes=True),
        scratch_types=[
            pltpu.VMEM((BPW,), jnp.float32),
            pltpu.VMEM((BPW,), jnp.float32),
            pltpu.VMEM((BPW,), jnp.float32),
            pltpu.VMEM((BPW,), jnp.int32),
            pltpu.VMEM((CHUNK, D_OUT), jnp.float32),
            pltpu.SemaphoreType.DMA,
            pltpu.SemaphoreType.DMA,
        ],
    )
    def k(xT_hbm, tabT_hbm, out_hbm,
          xv0, xv1, xv2, idx_v, rows_v, xsem, sem):
        cid = lax.axis_index("c")
        sid = lax.axis_index("s")
        wid = sid * jnp.int32(NC) + cid
        base = wid * jnp.int32(BPW)

        cp0 = pltpu.async_copy(
            xT_hbm.at[jnp.int32(0), pl.ds(base, BPW)], xv0, xsem)
        cp1 = pltpu.async_copy(
            xT_hbm.at[jnp.int32(1), pl.ds(base, BPW)], xv1, xsem)
        cp2 = pltpu.async_copy(
            xT_hbm.at[jnp.int32(2), pl.ds(base, BPW)], xv2, xsem)
        cp0.wait()
        cp1.wait()
        cp2.wait()

        def hash_body(i, carry):
            sl = pl.ds(i * jnp.int32(L), L)
            cx = (xv0[sl] * GRID_SIZE).astype(jnp.int32)
            cy = (xv1[sl] * GRID_SIZE).astype(jnp.int32)
            cz = (xv2[sl] * GRID_SIZE).astype(jnp.int32)
            h = (cx ^ (cy * jnp.int32(P2)) ^ (cz * jnp.int32(P3))) & jnp.int32(MASK)
            idx_v[sl] = h
            return carry

        lax.fori_loop(jnp.int32(0), jnp.int32(BPW // L), hash_body,
                      jnp.int32(0))

        def chunk_body(j, carry):
            off = j * jnp.int32(CHUNK)
            cps = []
            for t in range(CHUNK // GCH):
                cps.append(pltpu.async_copy(
                    tabT_hbm.at[idx_v.at[pl.ds(off + jnp.int32(t * GCH), GCH)]],
                    rows_v.at[pl.ds(t * GCH, GCH)],
                    sem,
                ))
            for c in cps:
                c.wait()
            pltpu.sync_copy(rows_v, out_hbm.at[pl.ds(base + off, CHUNK)])
            return carry

        lax.fori_loop(jnp.int32(0), jnp.int32(BPW // CHUNK), chunk_body,
                      jnp.int32(0))

    return k(xT, tabT)


def kernel(x, tables):
    tabT = jnp.transpose(tables, (1, 0, 2)).reshape(HASHMAP_SIZE, D_OUT)
    return _sc_encode(x.T, tabT)

# --- scband reference (transcript-rebuilt; emitter-appended) ---
"""Pipeline reference for scband-ngphash-encoding-10806137716876 (READ-ONLY COPY).

The authoritative reference and input builder live on the scoring server;
editing this copy changes nothing except your own understanding.
"""

import jax, jax.numpy as jnp
import numpy as np

jax.config.update("jax_enable_x64", True)

N_LEVELS = 16
HASHMAP_SIZE = 2 ** 19
GRID_SIZE = 512
N_FEATS = 2
PRIMES = (1, 2654435761, 805459861)


def setup_inputs(seed: int = 0) -> dict:
    key = jax.random.key(seed)
    k1, k2 = jax.random.split(key)
    # coordinates normalized to [0, 1]
    x = jax.random.uniform(k1, (262144, 3), dtype=jnp.float32)
    # one embedding table per level, init uniform(-1e-4, 1e-4) like the torch module
    tables = jax.random.uniform(
        k2, (N_LEVELS, HASHMAP_SIZE, N_FEATS), dtype=jnp.float32,
        minval=-0.0001, maxval=0.0001,
    )
    return {"x": x, "tables": tables}


def _hash(coords_int):
    cx = coords_int[..., 0]
    cy = coords_int[..., 1]
    cz = coords_int[..., 2]
    h = (cx * PRIMES[0]) ^ (cy * PRIMES[1]) ^ (cz * PRIMES[2])
    return jnp.mod(h, HASHMAP_SIZE)


def reference(x, tables):
    xs = x * GRID_SIZE
    x_floor = jnp.floor(xs).astype(jnp.int64)
    hashes = _hash(x_floor)
    feats = [jnp.take(tables[i], hashes, axis=0) for i in range(N_LEVELS)]
    return jnp.concatenate(feats, axis=-1)

if __name__ == "__main__":
    import jax
    _d = setup_inputs()
    print(jax.jit(kernel)(*tuple(_d.values())))

</pallas_src>

<mosaic_0001>
#map = affine_map<(d0, d1) -> (0, 0)>
module attributes {stable_mosaic.version = 14 : i64} {
  func.func @k(%arg0: i32, %arg1: i32, %arg2: memref<3x262144xf32, #tpu.memory_space<hbm>>, %arg3: memref<524288x32xf32, #tpu.memory_space<hbm>>, %arg4: memref<262144x32xf32, #tpu.memory_space<hbm>>, %arg5: memref<8192xf32, #tpu.memory_space<vmem>>, %arg6: memref<8192xf32, #tpu.memory_space<vmem>>, %arg7: memref<8192xf32, #tpu.memory_space<vmem>>, %arg8: memref<8192xi32, #tpu.memory_space<vmem>>, %arg9: memref<1024x32xf32, #tpu.memory_space<vmem>>, %arg10: memref<!tpu.dma_semaphore, #tpu.memory_space<semaphore_mem>>, %arg11: memref<!tpu.dma_semaphore, #tpu.memory_space<semaphore_mem>>) attributes {dimension_semantics = [#tpu.dimension_semantics<core_parallel>, #tpu.dimension_semantics<subcore_parallel>], iteration_bounds = array<i64: 2, 16>, scalar_prefetch = 0 : i64, scratch_operands = 7 : i64, tpu.core_type = #tpu.core_type<sc_vector_subcore>, window_params = [{transform_indices = #map}, {transform_indices = #map}, {transform_indices = #map}]} {
    %mul3A = arith.constant 2 : i32
    %mul3A_0 = arith.muli %arg1, %mul3A : i32
    %add3A = arith.addi %mul3A_0, %arg0 : i32
    %mul3A_1 = arith.constant 8192 : i32
    %mul3A_2 = arith.muli %add3A, %mul3A_1 : i32
    %dma_start3A = arith.constant 0 : i32
    %dma_start3A_3 = tpu.memref_slice %arg2[%dma_start3A, %mul3A_2] : memref<3x262144xf32, #tpu.memory_space<hbm>> -> memref<1x8192xf32, #tpu.memory_space<hbm>>
    %dma_start3A_4 = tpu.memref_squeeze %dma_start3A_3 : memref<1x8192xf32, #tpu.memory_space<hbm>> -> memref<8192xf32, #tpu.memory_space<hbm>>
    %dma_start3A_5 = tpu.memref_slice %arg2[%dma_start3A, %mul3A_2] : memref<3x262144xf32, #tpu.memory_space<hbm>> -> memref<1x8192xf32, #tpu.memory_space<hbm>>
    %dma_start3A_6 = tpu.memref_squeeze %dma_start3A_5 : memref<1x8192xf32, #tpu.memory_space<hbm>> -> memref<8192xf32, #tpu.memory_space<hbm>>
    tpu.enqueue_dma source(%dma_start3A_6 : memref<8192xf32, #tpu.memory_space<hbm>>) target(%arg5 : memref<8192xf32, #tpu.memory_space<vmem>>) target_semaphore(%arg10 : memref<!tpu.dma_semaphore, #tpu.memory_space<semaphore_mem>>)
    %dma_start3A_7 = arith.constant 1 : i32
    %dma_start3A_8 = tpu.memref_slice %arg2[%dma_start3A_7, %mul3A_2] : memref<3x262144xf32, #tpu.memory_space<hbm>> -> memref<1x8192xf32, #tpu.memory_space<hbm>>
    %dma_start3A_9 = tpu.memref_squeeze %dma_start3A_8 : memref<1x8192xf32, #tpu.memory_space<hbm>> -> memref<8192xf32, #tpu.memory_space<hbm>>
    %dma_start3A_10 = tpu.memref_slice %arg2[%dma_start3A_7, %mul3A_2] : memref<3x262144xf32, #tpu.memory_space<hbm>> -> memref<1x8192xf32, #tpu.memory_space<hbm>>
    %dma_start3A_11 = tpu.memref_squeeze %dma_start3A_10 : memref<1x8192xf32, #tpu.memory_space<hbm>> -> memref<8192xf32, #tpu.memory_space<hbm>>
    tpu.enqueue_dma source(%dma_start3A_11 : memref<8192xf32, #tpu.memory_space<hbm>>) target(%arg6 : memref<8192xf32, #tpu.memory_space<vmem>>) target_semaphore(%arg10 : memref<!tpu.dma_semaphore, #tpu.memory_space<semaphore_mem>>)
    %dma_start3A_12 = arith.constant 2 : i32
    %dma_start3A_13 = tpu.memref_slice %arg2[%dma_start3A_12, %mul3A_2] : memref<3x262144xf32, #tpu.memory_space<hbm>> -> memref<1x8192xf32, #tpu.memory_space<hbm>>
    %dma_start3A_14 = tpu.memref_squeeze %dma_start3A_13 : memref<1x8192xf32, #tpu.memory_space<hbm>> -> memref<8192xf32, #tpu.memory_space<hbm>>
    %dma_start3A_15 = tpu.memref_slice %arg2[%dma_start3A_12, %mul3A_2] : memref<3x262144xf32, #tpu.memory_space<hbm>> -> memref<1x8192xf32, #tpu.memory_space<hbm>>
    %dma_start3A_16 = tpu.memref_squeeze %dma_start3A_15 : memref<1x8192xf32, #tpu.memory_space<hbm>> -> memref<8192xf32, #tpu.memory_space<hbm>>
    tpu.enqueue_dma source(%dma_start3A_16 : memref<8192xf32, #tpu.memory_space<hbm>>) target(%arg7 : memref<8192xf32, #tpu.memory_space<vmem>>) target_semaphore(%arg10 : memref<!tpu.dma_semaphore, #tpu.memory_space<semaphore_mem>>)
    %dma_wait3A = arith.constant 0 : i32
    %dma_wait3A_17 = tpu.memref_slice %arg2[%dma_wait3A, %mul3A_2] : memref<3x262144xf32, #tpu.memory_space<hbm>> -> memref<1x8192xf32, #tpu.memory_space<hbm>>
    %dma_wait3A_18 = tpu.memref_squeeze %dma_wait3A_17 : memref<1x8192xf32, #tpu.memory_space<hbm>> -> memref<8192xf32, #tpu.memory_space<hbm>>
    %dma_wait3A_19 = tpu.memref_slice %arg2[%dma_wait3A, %mul3A_2] : memref<3x262144xf32, #tpu.memory_space<hbm>> -> memref<1x8192xf32, #tpu.memory_space<hbm>>
    %dma_wait3A_20 = tpu.memref_squeeze %dma_wait3A_19 : memref<1x8192xf32, #tpu.memory_space<hbm>> -> memref<8192xf32, #tpu.memory_space<hbm>>
    tpu.wait_dma2 semaphore(%arg10 : memref<!tpu.dma_semaphore, #tpu.memory_space<semaphore_mem>>) src(%dma_wait3A_20 : memref<8192xf32, #tpu.memory_space<hbm>>) dst(%arg5 : memref<8192xf32, #tpu.memory_space<vmem>>)
    %dma_wait3A_21 = arith.constant 1 : i32
    %dma_wait3A_22 = tpu.memref_slice %arg2[%dma_wait3A_21, %mul3A_2] : memref<3x262144xf32, #tpu.memory_space<hbm>> -> memref<1x8192xf32, #tpu.memory_space<hbm>>
    %dma_wait3A_23 = tpu.memref_squeeze %dma_wait3A_22 : memref<1x8192xf32, #tpu.memory_space<hbm>> -> memref<8192xf32, #tpu.memory_space<hbm>>
    %dma_wait3A_24 = tpu.memref_slice %arg2[%dma_wait3A_21, %mul3A_2] : memref<3x262144xf32, #tpu.memory_space<hbm>> -> memref<1x8192xf32, #tpu.memory_space<hbm>>
    %dma_wait3A_25 = tpu.memref_squeeze %dma_wait3A_24 : memref<1x8192xf32, #tpu.memory_space<hbm>> -> memref<8192xf32, #tpu.memory_space<hbm>>
    tpu.wait_dma2 semaphore(%arg10 : memref<!tpu.dma_semaphore, #tpu.memory_space<semaphore_mem>>) src(%dma_wait3A_25 : memref<8192xf32, #tpu.memory_space<hbm>>) dst(%arg6 : memref<8192xf32, #tpu.memory_space<vmem>>)
    %dma_wait3A_26 = arith.constant 2 : i32
    %dma_wait3A_27 = tpu.memref_slice %arg2[%dma_wait3A_26, %mul3A_2] : memref<3x262144xf32, #tpu.memory_space<hbm>> -> memref<1x8192xf32, #tpu.memory_space<hbm>>
    %dma_wait3A_28 = tpu.memref_squeeze %dma_wait3A_27 : memref<1x8192xf32, #tpu.memory_space<hbm>> -> memref<8192xf32, #tpu.memory_space<hbm>>
    %dma_wait3A_29 = tpu.memref_slice %arg2[%dma_wait3A_26, %mul3A_2] : memref<3x262144xf32, #tpu.memory_space<hbm>> -> memref<1x8192xf32, #tpu.memory_space<hbm>>
    %dma_wait3A_30 = tpu.memref_squeeze %dma_wait3A_29 : memref<1x8192xf32, #tpu.memory_space<hbm>> -> memref<8192xf32, #tpu.memory_space<hbm>>
    tpu.wait_dma2 semaphore(%arg10 : memref<!tpu.dma_semaphore, #tpu.memory_space<semaphore_mem>>) src(%dma_wait3A_30 : memref<8192xf32, #tpu.memory_space<hbm>>) dst(%arg7 : memref<8192xf32, #tpu.memory_space<vmem>>)
    %while3A = arith.constant 0 : i32
    %while3A_31 = arith.constant 0 : i32
    %while3A_32 = arith.constant 512 : i32
    %while3A_33 = arith.subi %while3A_32, %while3A_31 : i32
    %while3A_34 = arith.addi %while3A_31, %while3A_33 : i32
    %while3A_35 = arith.constant 1 : i32
    %while3A_36 = arith.divsi %while3A_33, %while3A_35 : i32
    %while3A_37 = arith.muli %while3A_36, %while3A_35 : i32
    %while3A_38 = arith.addi %while3A_31, %while3A_37 : i32
    %while3A_39 = arith.constant 1 : i32
    scf.for %while3A_52 = %while3A_31 to %while3A_38 step %while3A_39  : i32 {
      %mul3A_53 = arith.constant 16 : i32
      %mul3A_54 = arith.muli %while3A_52, %mul3A_53 : i32
      %get3A = arith.index_cast %mul3A_54 : i32 to index
      %get3A_55 = tpu.vector_load %arg5[%get3A] {strides = array<i32>} : memref<8192xf32, #tpu.memory_space<vmem>>, vector<16xf32>,
      %get3A_56 = vector.shape_cast %get3A_55 : vector<16xf32> to vector<16xf32>
      %mul3A_57 = arith.constant 5.120000e+02 : f32
      %mul3A_58 = vector.broadcast %mul3A_57 : f32 to vector<16xf32>
      %mul3A_59 = arith.mulf %get3A_56, %mul3A_58 : vector<16xf32>
      %convert_element_type3A = arith.fptosi %mul3A_59 : vector<16xf32> to vector<16xi32>
      %get3A_60 = arith.index_cast %mul3A_54 : i32 to index
      %get3A_61 = tpu.vector_load %arg6[%get3A_60] {strides = array<i32>} : memref<8192xf32, #tpu.memory_space<vmem>>, vector<16xf32>,
      %get3A_62 = vector.shape_cast %get3A_61 : vector<16xf32> to vector<16xf32>
      %mul3A_63 = arith.constant 5.120000e+02 : f32
      %mul3A_64 = vector.broadcast %mul3A_63 : f32 to vector<16xf32>
      %mul3A_65 = arith.mulf %get3A_62, %mul3A_64 : vector<16xf32>
      %convert_element_type3A_66 = arith.fptosi %mul3A_65 : vector<16xf32> to vector<16xi32>
      %get3A_67 = arith.index_cast %mul3A_54 : i32 to index
      %get3A_68 = tpu.vector_load %arg7[%get3A_67] {strides = array<i32>} : memref<8192xf32, #tpu.memory_space<vmem>>, vector<16xf32>,
      %get3A_69 = vector.shape_cast %get3A_68 : vector<16xf32> to vector<16xf32>
      %mul3A_70 = arith.constant 5.120000e+02 : f32
      %mul3A_71 = vector.broadcast %mul3A_70 : f32 to vector<16xf32>
      %mul3A_72 = arith.mulf %get3A_69, %mul3A_71 : vector<16xf32>
      %convert_element_type3A_73 = arith.fptosi %mul3A_72 : vector<16xf32> to vector<16xi32>
      %mul3A_74 = arith.constant -1640531535 : i32
      %mul3A_75 = vector.broadcast %mul3A_74 : i32 to vector<16xi32>
      %mul3A_76 = arith.muli %convert_element_type3A_66, %mul3A_75 : vector<16xi32>
      %xor3A = arith.xori %convert_element_type3A, %mul3A_76 : vector<16xi32>
      %mul3A_77 = arith.constant 805459861 : i32
      %mul3A_78 = vector.broadcast %mul3A_77 : i32 to vector<16xi32>
      %mul3A_79 = arith.muli %convert_element_type3A_73, %mul3A_78 : vector<16xi32>
      %xor3A_80 = arith.xori %xor3A, %mul3A_79 : vector<16xi32>
      %and3A = arith.constant 524287 : i32
      %and3A_81 = vector.broadcast %and3A : i32 to vector<16xi32>
      %and3A_82 = arith.andi %xor3A_80, %and3A_81 : vector<16xi32>
      %swap3A = arith.index_cast %mul3A_54 : i32 to index
      %swap3A_83 = tpu.vector_load %arg8[%swap3A] {strides = array<i32>} : memref<8192xi32, #tpu.memory_space<vmem>>, vector<16xi32>,
      %swap3A_84 = vector.shape_cast %swap3A_83 : vector<16xi32> to vector<16xi32>
      %swap3A_85 = vector.shape_cast %and3A_82 : vector<16xi32> to vector<16xi32>
      tpu.vector_store %arg8[%swap3A], %swap3A_85 {strides = array<i32>} : memref<8192xi32, #tpu.memory_space<vmem>>, vector<16xi32>,
    }
    %while3A_40 = arith.constant 1 : i32
    scf.for %while3A_52 = %while3A_38 to %while3A_34 step %while3A_40  : i32 {
      %mul3A_53 = arith.constant 16 : i32
      %mul3A_54 = arith.muli %while3A_52, %mul3A_53 : i32
      %get3A = arith.index_cast %mul3A_54 : i32 to index
      %get3A_55 = tpu.vector_load %arg5[%get3A] {strides = array<i32>} : memref<8192xf32, #tpu.memory_space<vmem>>, vector<16xf32>,
      %get3A_56 = vector.shape_cast %get3A_55 : vector<16xf32> to vector<16xf32>
      %mul3A_57 = arith.constant 5.120000e+02 : f32
      %mul3A_58 = vector.broadcast %mul3A_57 : f32 to vector<16xf32>
      %mul3A_59 = arith.mulf %get3A_56, %mul3A_58 : vector<16xf32>
      %convert_element_type3A = arith.fptosi %mul3A_59 : vector<16xf32> to vector<16xi32>
      %get3A_60 = arith.index_cast %mul3A_54 : i32 to index
      %get3A_61 = tpu.vector_load %arg6[%get3A_60] {strides = array<i32>} : memref<8192xf32, #tpu.memory_space<vmem>>, vector<16xf32>,
      %get3A_62 = vector.shape_cast %get3A_61 : vector<16xf32> to vector<16xf32>
      %mul3A_63 = arith.constant 5.120000e+02 : f32
      %mul3A_64 = vector.broadcast %mul3A_63 : f32 to vector<16xf32>
      %mul3A_65 = arith.mulf %get3A_62, %mul3A_64 : vector<16xf32>
      %convert_element_type3A_66 = arith.fptosi %mul3A_65 : vector<16xf32> to vector<16xi32>
      %get3A_67 = arith.index_cast %mul3A_54 : i32 to index
      %get3A_68 = tpu.vector_load %arg7[%get3A_67] {strides = array<i32>} : memref<8192xf32, #tpu.memory_space<vmem>>, vector<16xf32>,
      %get3A_69 = vector.shape_cast %get3A_68 : vector<16xf32> to vector<16xf32>
      %mul3A_70 = arith.constant 5.120000e+02 : f32
      %mul3A_71 = vector.broadcast %mul3A_70 : f32 to vector<16xf32>
      %mul3A_72 = arith.mulf %get3A_69, %mul3A_71 : vector<16xf32>
      %convert_element_type3A_73 = arith.fptosi %mul3A_72 : vector<16xf32> to vector<16xi32>
      %mul3A_74 = arith.constant -1640531535 : i32
      %mul3A_75 = vector.broadcast %mul3A_74 : i32 to vector<16xi32>
      %mul3A_76 = arith.muli %convert_element_type3A_66, %mul3A_75 : vector<16xi32>
      %xor3A = arith.xori %convert_element_type3A, %mul3A_76 : vector<16xi32>
      %mul3A_77 = arith.constant 805459861 : i32
      %mul3A_78 = vector.broadcast %mul3A_77 : i32 to vector<16xi32>
      %mul3A_79 = arith.muli %convert_element_type3A_73, %mul3A_78 : vector<16xi32>
      %xor3A_80 = arith.xori %xor3A, %mul3A_79 : vector<16xi32>
      %and3A = arith.constant 524287 : i32
      %and3A_81 = vector.broadcast %and3A : i32 to vector<16xi32>
      %and3A_82 = arith.andi %xor3A_80, %and3A_81 : vector<16xi32>
      %swap3A = arith.index_cast %mul3A_54 : i32 to index
      %swap3A_83 = tpu.vector_load %arg8[%swap3A] {strides = array<i32>} : memref<8192xi32, #tpu.memory_space<vmem>>, vector<16xi32>,
      %swap3A_84 = vector.shape_cast %swap3A_83 : vector<16xi32> to vector<16xi32>
      %swap3A_85 = vector.shape_cast %and3A_82 : vector<16xi32> to vector<16xi32>
      tpu.vector_store %arg8[%swap3A], %swap3A_85 {strides = array<i32>} : memref<8192xi32, #tpu.memory_space<vmem>>, vector<16xi32>,
    }
    %while3A_41 = arith.constant 0 : i32
    %while3A_42 = arith.constant 0 : i32
    %while3A_43 = arith.constant 8 : i32
    %while3A_44 = arith.subi %while3A_43, %while3A_42 : i32
    %while3A_45 = arith.addi %while3A_42, %while3A_44 : i32
    %while3A_46 = arith.constant 1 : i32
    %while3A_47 = arith.divsi %while3A_44, %while3A_46 : i32
    %while3A_48 = arith.muli %while3A_47, %while3A_46 : i32
    %while3A_49 = arith.addi %while3A_42, %while3A_48 : i32
    %while3A_50 = arith.constant 1 : i32
    scf.for %while3A_52 = %while3A_42 to %while3A_49 step %while3A_50  : i32 {
      %mul3A_53 = arith.constant 1024 : i32
      %mul3A_54 = arith.muli %while3A_52, %mul3A_53 : i32
      %add3A_55 = arith.constant 0 : i32
      %add3A_56 = arith.addi %mul3A_54, %add3A_55 : i32
      %dma_start3A_57 = arith.constant 0 : i32
      %dma_start3A_58 = arith.constant 0 : i32
      %dma_start3A_59 = tpu.memref_slice %arg9[%dma_start3A_57, %dma_start3A_58] : memref<1024x32xf32, #tpu.memory_space<vmem>> -> memref<128x32xf32, #tpu.memory_space<vmem>>
      %dma_start3A_60 = tpu.memref_slice %arg8[%add3A_56] : memref<8192xi32, #tpu.memory_space<vmem>> -> memref<128xi32, #tpu.memory_space<vmem>>
      %dma_start3A_61 = arith.constant 0 : i32
      %dma_start3A_62 = arith.constant 0 : i32
      %dma_start3A_63 = tpu.memref_slice %arg3[%dma_start3A_61, %dma_start3A_62] : memref<524288x32xf32, #tpu.memory_space<hbm>> -> memref<524288x32xf32, #tpu.memory_space<hbm>>
      tpu.enqueue_indirect_dma source(%dma_start3A_63 : memref<524288x32xf32, #tpu.memory_space<hbm>>) target(%dma_start3A_59 : memref<128x32xf32, #tpu.memory_space<vmem>>) offsets(%dma_start3A_60 : memref<128xi32, #tpu.memory_space<vmem>>) semaphore(%arg11 : memref<!tpu.dma_semaphore, #tpu.memory_space<semaphore_mem>>)
      %add3A_64 = arith.constant 128 : i32
      %add3A_65 = arith.addi %mul3A_54, %add3A_64 : i32
      %dma_start3A_66 = arith.constant 128 : i32
      %dma_start3A_67 = arith.constant 0 : i32
      %dma_start3A_68 = tpu.memref_slice %arg9[%dma_start3A_66, %dma_start3A_67] : memref<1024x32xf32, #tpu.memory_space<vmem>> -> memref<128x32xf32, #tpu.memory_space<vmem>>
      %dma_start3A_69 = tpu.memref_slice %arg8[%add3A_65] : memref<8192xi32, #tpu.memory_space<vmem>> -> memref<128xi32, #tpu.memory_space<vmem>>
      %dma_start3A_70 = arith.constant 0 : i32
      %dma_start3A_71 = arith.constant 0 : i32
      %dma_start3A_72 = tpu.memref_slice %arg3[%dma_start3A_70, %dma_start3A_71] : memref<524288x32xf32, #tpu.memory_space<hbm>> -> memref<524288x32xf32, #tpu.memory_space<hbm>>
      tpu.enqueue_indirect_dma source(%dma_start3A_72 : memref<524288x32xf32, #tpu.memory_space<hbm>>) target(%dma_start3A_68 : memref<128x32xf32, #tpu.memory_space<vmem>>) offsets(%dma_start3A_69 : memref<128xi32, #tpu.memory_space<vmem>>) semaphore(%arg11 : memref<!tpu.dma_semaphore, #tpu.memory_space<semaphore_mem>>)
      %add3A_73 = arith.constant 256 : i32
      %add3A_74 = arith.addi %mul3A_54, %add3A_73 : i32
      %dma_start3A_75 = arith.constant 256 : i32
      %dma_start3A_76 = arith.constant 0 : i32
      %dma_start3A_77 = tpu.memref_slice %arg9[%dma_start3A_75, %dma_start3A_76] : memref<1024x32xf32, #tpu.memory_space<vmem>> -> memref<128x32xf32, #tpu.memory_space<vmem>>
      %dma_start3A_78 = tpu.memref_slice %arg8[%add3A_74] : memref<8192xi32, #tpu.memory_space<vmem>> -> memref<128xi32, #tpu.memory_space<vmem>>
      %dma_start3A_79 = arith.constant 0 : i32
      %dma_start3A_80 = arith.constant 0 : i32
      %dma_start3A_81 = tpu.memref_slice %arg3[%dma_start3A_79, %dma_start3A_80] : memref<524288x32xf32, #tpu.memory_space<hbm>> -> memref<524288x32xf32, #tpu.memory_space<hbm>>
      tpu.enqueue_indirect_dma source(%dma_start3A_81 : memref<524288x32xf32, #tpu.memory_space<hbm>>) target(%dma_start3A_77 : memref<128x32xf32, #tpu.memory_space<vmem>>) offsets(%dma_start3A_78 : memref<128xi32, #tpu.memory_space<vmem>>) semaphore(%arg11 : memref<!tpu.dma_semaphore, #tpu.memory_space<semaphore_mem>>)
      %add3A_82 = arith.constant 384 : i32
      %add3A_83 = arith.addi %mul3A_54, %add3A_82 : i32
      %dma_start3A_84 = arith.constant 384 : i32
      %dma_start3A_85 = arith.constant 0 : i32
      %dma_start3A_86 = tpu.memref_slice %arg9[%dma_start3A_84, %dma_start3A_85] : memref<1024x32xf32, #tpu.memory_space<vmem>> -> memref<128x32xf32, #tpu.memory_space<vmem>>
      %dma_start3A_87 = tpu.memref_slice %arg8[%add3A_83] : memref<8192xi32, #tpu.memory_space<vmem>> -> memref<128xi32, #tpu.memory_space<vmem>>
      %dma_start3A_88 = arith.constant 0 : i32
      %dma_start3A_89 = arith.constant 0 : i32
      %dma_start3A_90 = tpu.memref_slice %arg3[%dma_start3A_88, %dma_start3A_89] : memref<524288x32xf32, #tpu.memory_space<hbm>> -> memref<524288x32xf32, #tpu.memory_space<hbm>>
      tpu.enqueue_indirect_dma source(%dma_start3A_90 : memref<524288x32xf32, #tpu.memory_space<hbm>>) target(%dma_start3A_86 : memref<128x32xf32, #tpu.memory_space<vmem>>) offsets(%dma_start3A_87 : memref<128xi32, #tpu.memory_space<vmem>>) semaphore(%arg11 : memref<!tpu.dma_semaphore, #tpu.memory_space<semaphore_mem>>)
      %add3A_91 = arith.constant 512 : i32
      %add3A_92 = arith.addi %mul3A_54, %add3A_91 : i32
      %dma_start3A_93 = arith.constant 512 : i32
      %dma_start3A_94 = arith.constant 0 : i32
      %dma_start3A_95 = tpu.memref_slice %arg9[%dma_start3A_93, %dma_start3A_94] : memref<1024x32xf32, #tpu.memory_space<vmem>> -> memref<128x32xf32, #tpu.memory_space<vmem>>
      %dma_start3A_96 = tpu.memref_slice %arg8[%add3A_92] : memref<8192xi32, #tpu.memory_space<vmem>> -> memref<128xi32, #tpu.memory_space<vmem>>
      %dma_start3A_97 = arith.constant 0 : i32
      %dma_start3A_98 = arith.constant 0 : i32
      %dma_start3A_99 = tpu.memref_slice %arg3[%dma_start3A_97, %dma_start3A_98] : memref<524288x32xf32, #tpu.memory_space<hbm>> -> memref<524288x32xf32, #tpu.memory_space<hbm>>
      tpu.enqueue_indirect_dma source(%dma_start3A_99 : memref<524288x32xf32, #tpu.memory_space<hbm>>) target(%dma_start3A_95 : memref<128x32xf32, #tpu.memory_space<vmem>>) offsets(%dma_start3A_96 : memref<128xi32, #tpu.memory_space<vmem>>) semaphore(%arg11 : memref<!tpu.dma_semaphore, #tpu.memory_space<semaphore_mem>>)
      %add3A_100 = arith.constant 640 : i32
      %add3A_101 = arith.addi %mul3A_54, %add3A_100 : i32
      %dma_start3A_102 = arith.constant 640 : i32
      %dma_start3A_103 = arith.constant 0 : i32
      %dma_start3A_104 = tpu.memref_slice %arg9[%dma_start3A_102, %dma_start3A_103] : memref<1024x32xf32, #tpu.memory_space<vmem>> -> memref<128x32xf32, #tpu.memory_space<vmem>>
      %dma_start3A_105 = tpu.memref_slice %arg8[%add3A_101] : memref<8192xi32, #tpu.memory_space<vmem>> -> memref<128xi32, #tpu.memory_space<vmem>>
      %dma_start3A_106 = arith.constant 0 : i32
      %dma_start3A_107 = arith.constant 0 : i32
      %dma_start3A_108 = tpu.memref_slice %arg3[%dma_start3A_106, %dma_start3A_107] : memref<524288x32xf32, #tpu.memory_space<hbm>> -> memref<524288x32xf32, #tpu.memory_space<hbm>>
      tpu.enqueue_indirect_dma source(%dma_start3A_108 : memref<524288x32xf32, #tpu.memory_space<hbm>>) target(%dma_start3A_104 : memref<128x32xf32, #tpu.memory_space<vmem>>) offsets(%dma_start3A_105 : memref<128xi32, #tpu.memory_space<vmem>>) semaphore(%arg11 : memref<!tpu.dma_semaphore, #tpu.memory_space<semaphore_mem>>)
      %add3A_109 = arith.constant 768 : i32
      %add3A_110 = arith.addi %mul3A_54, %add3A_109 : i32
      %dma_start3A_111 = arith.constant 768 : i32
      %dma_start3A_112 = arith.constant 0 : i32
      %dma_start3A_113 = tpu.memref_slice %arg9[%dma_start3A_111, %dma_start3A_112] : memref<1024x32xf32, #tpu.memory_space<vmem>> -> memref<128x32xf32, #tpu.memory_space<vmem>>
      %dma_start3A_114 = tpu.memref_slice %arg8[%add3A_110] : memref<8192xi32, #tpu.memory_space<vmem>> -> memref<128xi32, #tpu.memory_space<vmem>>
      %dma_start3A_115 = arith.constant 0 : i32
      %dma_start3A_116 = arith.constant 0 : i32
      %dma_start3A_117 = tpu.memref_slice %arg3[%dma_start3A_115, %dma_start3A_116] : memref<524288x32xf32, #tpu.memory_space<hbm>> -> memref<524288x32xf32, #tpu.memory_space<hbm>>
      tpu.enqueue_indirect_dma source(%dma_start3A_117 : memref<524288x32xf32, #tpu.memory_space<hbm>>) target(%dma_start3A_113 : memref<128x32xf32, #tpu.memory_space<vmem>>) offsets(%dma_start3A_114 : memref<128xi32, #tpu.memory_space<vmem>>) semaphore(%arg11 : memref<!tpu.dma_semaphore, #tpu.memory_space<semaphore_mem>>)
      %add3A_118 = arith.constant 896 : i32
      %add3A_119 = arith.addi %mul3A_54, %add3A_118 : i32
      %dma_start3A_120 = arith.constant 896 : i32
      %dma_start3A_121 = arith.constant 0 : i32
      %dma_start3A_122 = tpu.memref_slice %arg9[%dma_start3A_120, %dma_start3A_121] : memref<1024x32xf32, #tpu.memory_space<vmem>> -> memref<128x32xf32, #tpu.memory_space<vmem>>
      %dma_start3A_123 = tpu.memref_slice %arg8[%add3A_119] : memref<8192xi32, #tpu.memory_space<vmem>> -> memref<128xi32, #tpu.memory_space<vmem>>
      %dma_start3A_124 = arith.constant 0 : i32
      %dma_start3A_125 = arith.constant 0 : i32
      %dma_start3A_126 = tpu.memref_slice %arg3[%dma_start3A_124, %dma_start3A_125] : memref<524288x32xf32, #tpu.memory_space<hbm>> -> memref<524288x32xf32, #tpu.memory_space<hbm>>
      tpu.enqueue_indirect_dma source(%dma_start3A_126 : memref<524288x32xf32, #tpu.memory_space<hbm>>) target(%dma_start3A_122 : memref<128x32xf32, #tpu.memory_space<vmem>>) offsets(%dma_start3A_123 : memref<128xi32, #tpu.memory_space<vmem>>) semaphore(%arg11 : memref<!tpu.dma_semaphore, #tpu.memory_space<semaphore_mem>>)
      %dma_wait3A_127 = arith.constant 0 : i32
      %dma_wait3A_128 = arith.constant 0 : i32
      %dma_wait3A_129 = tpu.memref_slice %arg9[%dma_wait3A_127, %dma_wait3A_128] : memref<1024x32xf32, #tpu.memory_space<vmem>> -> memref<128x32xf32, #tpu.memory_space<vmem>>
      %dma_wait3A_130 = tpu.memref_slice %arg8[%add3A_56] : memref<8192xi32, #tpu.memory_space<vmem>> -> memref<128xi32, #tpu.memory_space<vmem>>
      %dma_wait3A_131 = arith.constant 0 : i32
      %dma_wait3A_132 = arith.constant 0 : i32
      %dma_wait3A_133 = tpu.memref_slice %arg3[%dma_wait3A_131, %dma_wait3A_132] : memref<524288x32xf32, #tpu.memory_space<hbm>> -> memref<524288x32xf32, #tpu.memory_space<hbm>>
      tpu.wait_indirect_dma semaphore(%arg11 : memref<!tpu.dma_semaphore, #tpu.memory_space<semaphore_mem>>) src(%dma_wait3A_133 : memref<524288x32xf32, #tpu.memory_space<hbm>>) dst(%dma_wait3A_129 : memref<128x32xf32, #tpu.memory_space<vmem>>)
      %dma_wait3A_134 = arith.constant 128 : i32
      %dma_wait3A_135 = arith.constant 0 : i32
      %dma_wait3A_136 = tpu.memref_slice %arg9[%dma_wait3A_134, %dma_wait3A_135] : memref<1024x32xf32, #tpu.memory_space<vmem>> -> memref<128x32xf32, #tpu.memory_space<vmem>>
      %dma_wait3A_137 = tpu.memref_slice %arg8[%add3A_65] : memref<8192xi32, #tpu.memory_space<vmem>> -> memref<128xi32, #tpu.memory_space<vmem>>
      %dma_wait3A_138 = arith.constant 0 : i32
      %dma_wait3A_139 = arith.constant 0 : i32
      %dma_wait3A_140 = tpu.memref_slice %arg3[%dma_wait3A_138, %dma_wait3A_139] : memref<524288x32xf32, #tpu.memory_space<hbm>> -> memref<524288x32xf32, #tpu.memory_space<hbm>>
      tpu.wait_indirect_dma semaphore(%arg11 : memref<!tpu.dma_semaphore, #tpu.memory_space<semaphore_mem>>) src(%dma_wait3A_140 : memref<524288x32xf32, #tpu.memory_space<hbm>>) dst(%dma_wait3A_136 : memref<128x32xf32, #tpu.memory_space<vmem>>)
      %dma_wait3A_141 = arith.constant 256 : i32
      %dma_wait3A_142 = arith.constant 0 : i32
      %dma_wait3A_143 = tpu.memref_slice %arg9[%dma_wait3A_141, %dma_wait3A_142] : memref<1024x32xf32, #tpu.memory_space<vmem>> -> memref<128x32xf32, #tpu.memory_space<vmem>>
      %dma_wait3A_144 = tpu.memref_slice %arg8[%add3A_74] : memref<8192xi32, #tpu.memory_space<vmem>> -> memref<128xi32, #tpu.memory_space<vmem>>
      %dma_wait3A_145 = arith.constant 0 : i32
      %dma_wait3A_146 = arith.constant 0 : i32
      %dma_wait3A_147 = tpu.memref_slice %arg3[%dma_wait3A_145, %dma_wait3A_146] : memref<524288x32xf32, #tpu.memory_space<hbm>> -> memref<524288x32xf32, #tpu.memory_space<hbm>>
      tpu.wait_indirect_dma semaphore(%arg11 : memref<!tpu.dma_semaphore, #tpu.memory_space<semaphore_mem>>) src(%dma_wait3A_147 : memref<524288x32xf32, #tpu.memory_space<hbm>>) dst(%dma_wait3A_143 : memref<128x32xf32, #tpu.memory_space<vmem>>)
      %dma_wait3A_148 = arith.constant 384 : i32
      %dma_wait3A_149 = arith.constant 0 : i32
      %dma_wait3A_150 = tpu.memref_slice %arg9[%dma_wait3A_148, %dma_wait3A_149] : memref<1024x32xf32, #tpu.memory_space<vmem>> -> memref<128x32xf32, #tpu.memory_space<vmem>>
      %dma_wait3A_151 = tpu.memref_slice %arg8[%add3A_83] : memref<8192xi32, #tpu.memory_space<vmem>> -> memref<128xi32, #tpu.memory_space<vmem>>
      %dma_wait3A_152 = arith.constant 0 : i32
      %dma_wait3A_153 = arith.constant 0 : i32
      %dma_wait3A_154 = tpu.memref_slice %arg3[%dma_wait3A_152, %dma_wait3A_153] : memref<524288x32xf32, #tpu.memory_space<hbm>> -> memref<524288x32xf32, #tpu.memory_space<hbm>>
      tpu.wait_indirect_dma semaphore(%arg11 : memref<!tpu.dma_semaphore, #tpu.memory_space<semaphore_mem>>) src(%dma_wait3A_154 : memref<524288x32xf32, #tpu.memory_space<hbm>>) dst(%dma_wait3A_150 : memref<128x32xf32, #tpu.memory_space<vmem>>)
      %dma_wait3A_155 = arith.constant 512 : i32
      %dma_wait3A_156 = arith.constant 0 : i32
      %dma_wait3A_157 = tpu.memref_slice %arg9[%dma_wait3A_155, %dma_wait3A_156] : memref<1024x32xf32, #tpu.memory_space<vmem>> -> memref<128x32xf32, #tpu.memory_space<vmem>>
      %dma_wait3A_158 = tpu.memref_slice %arg8[%add3A_92] : memref<8192xi32, #tpu.memory_space<vmem>> -> memref<128xi32, #tpu.memory_space<vmem>>
      %dma_wait3A_159 = arith.constant 0 : i32
      %dma_wait3A_160 = arith.constant 0 : i32
      %dma_wait3A_161 = tpu.memref_slice %arg3[%dma_wait3A_159, %dma_wait3A_160] : memref<524288x32xf32, #tpu.memory_space<hbm>> -> memref<524288x32xf32, #tpu.memory_space<hbm>>
      tpu.wait_indirect_dma semaphore(%arg11 : memref<!tpu.dma_semaphore, #tpu.memory_space<semaphore_mem>>) src(%dma_wait3A_161 : memref<524288x32xf32, #tpu.memory_space<hbm>>) dst(%dma_wait3A_157 : memref<128x32xf32, #tpu.memory_space<vmem>>)
      %dma_wait3A_162 = arith.constant 640 : i32
      %dma_wait3A_163 = arith.constant 0 : i32
      %dma_wait3A_164 = tpu.memref_slice %arg9[%dma_wait3A_162, %dma_wait3A_163] : memref<1024x32xf32, #tpu.memory_space<vmem>> -> memref<128x32xf32, #tpu.memory_space<vmem>>
      %dma_wait3A_165 = tpu.memref_slice %arg8[%add3A_101] : memref<8192xi32, #tpu.memory_space<vmem>> -> memref<128xi32, #tpu.memory_space<vmem>>
      %dma_wait3A_166 = arith.constant 0 : i32
      %dma_wait3A_167 = arith.constant 0 : i32
      %dma_wait3A_168 = tpu.memref_slice %arg3[%dma_wait3A_166, %dma_wait3A_167] : memref<524288x32xf32, #tpu.memory_space<hbm>> -> memref<524288x32xf32, #tpu.memory_space<hbm>>
      tpu.wait_indirect_dma semaphore(%arg11 : memref<!tpu.dma_semaphore, #tpu.memory_space<semaphore_mem>>) src(%dma_wait3A_168 : memref<524288x32xf32, #tpu.memory_space<hbm>>) dst(%dma_wait3A_164 : memref<128x32xf32, #tpu.memory_space<vmem>>)
      %dma_wait3A_169 = arith.constant 768 : i32
      %dma_wait3A_170 = arith.constant 0 : i32
      %dma_wait3A_171 = tpu.memref_slice %arg9[%dma_wait3A_169, %dma_wait3A_170] : memref<1024x32xf32, #tpu.memory_space<vmem>> -> memref<128x32xf32, #tpu.memory_space<vmem>>
      %dma_wait3A_172 = tpu.memref_slice %arg8[%add3A_110] : memref<8192xi32, #tpu.memory_space<vmem>> -> memref<128xi32, #tpu.memory_space<vmem>>
      %dma_wait3A_173 = arith.constant 0 : i32
      %dma_wait3A_174 = arith.constant 0 : i32
      %dma_wait3A_175 = tpu.memref_slice %arg3[%dma_wait3A_173, %dma_wait3A_174] : memref<524288x32xf32, #tpu.memory_space<hbm>> -> memref<524288x32xf32, #tpu.memory_space<hbm>>
      tpu.wait_indirect_dma semaphore(%arg11 : memref<!tpu.dma_semaphore, #tpu.memory_space<semaphore_mem>>) src(%dma_wait3A_175 : memref<524288x32xf32, #tpu.memory_space<hbm>>) dst(%dma_wait3A_171 : memref<128x32xf32, #tpu.memory_space<vmem>>)
      %dma_wait3A_176 = arith.constant 896 : i32
      %dma_wait3A_177 = arith.constant 0 : i32
      %dma_wait3A_178 = tpu.memref_slice %arg9[%dma_wait3A_176, %dma_wait3A_177] : memref<1024x32xf32, #tpu.memory_space<vmem>> -> memref<128x32xf32, #tpu.memory_space<vmem>>
      %dma_wait3A_179 = tpu.memref_slice %arg8[%add3A_119] : memref<8192xi32, #tpu.memory_space<vmem>> -> memref<128xi32, #tpu.memory_space<vmem>>
      %dma_wait3A_180 = arith.constant 0 : i32
      %dma_wait3A_181 = arith.constant 0 : i32
      %dma_wait3A_182 = tpu.memref_slice %arg3[%dma_wait3A_180, %dma_wait3A_181] : memref<524288x32xf32, #tpu.memory_space<hbm>> -> memref<524288x32xf32, #tpu.memory_space<hbm>>
      tpu.wait_indirect_dma semaphore(%arg11 : memref<!tpu.dma_semaphore, #tpu.memory_space<semaphore_mem>>) src(%dma_wait3A_182 : memref<524288x32xf32, #tpu.memory_space<hbm>>) dst(%dma_wait3A_178 : memref<128x32xf32, #tpu.memory_space<vmem>>)
      %add3A_183 = arith.addi %mul3A_2, %mul3A_54 : i32
      "tpu.region"() ({
        %run_scoped3A = tpu.sem_alloc : memref<!tpu.dma_semaphore, #tpu.memory_space<semaphore_mem>>
        %dma_start3A_184 = arith.constant 0 : i32
        %dma_start3A_185 = tpu.memref_slice %arg4[%add3A_183, %dma_start3A_184] : memref<262144x32xf32, #tpu.memory_space<hbm>> -> memref<1024x32xf32, #tpu.memory_space<hbm>>
        %dma_start3A_186 = arith.constant 0 : i32
        %dma_start3A_187 = tpu.memref_slice %arg4[%add3A_183, %dma_start3A_186] : memref<262144x32xf32, #tpu.memory_space<hbm>> -> memref<1024x32xf32, #tpu.memory_space<hbm>>
        tpu.enqueue_dma source(%arg9 : memref<1024x32xf32, #tpu.memory_space<vmem>>) target(%dma_start3A_187 : memref<1024x32xf32, #tpu.memory_space<hbm>>) target_semaphore(%run_scoped3A : memref<!tpu.dma_semaphore, #tpu.memory_space<semaphore_mem>>)
        %dma_wait3A_188 = arith.constant 0 : i32
        %dma_wait3A_189 = tpu.memref_slice %arg4[%add3A_183, %dma_wait3A_188] : memref<262144x32xf32, #tpu.memory_space<hbm>> -> memref<1024x32xf32, #tpu.memory_space<hbm>>
        %dma_wait3A_190 = arith.constant 0 : i32
        %dma_wait3A_191 = tpu.memref_slice %arg4[%add3A_183, %dma_wait3A_190] : memref<262144x32xf32, #tpu.memory_space<hbm>> -> memref<1024x32xf32, #tpu.memory_space<hbm>>
        tpu.wait_dma2 semaphore(%run_scoped3A : memref<!tpu.dma_semaphore, #tpu.memory_space<semaphore_mem>>) src(%arg9 : memref<1024x32xf32, #tpu.memory_space<vmem>>) dst(%dma_wait3A_191 : memref<1024x32xf32, #tpu.memory_space<hbm>>)
        tpu.yield
      }) : () -> ()
    }
    %while3A_51 = arith.constant 1 : i32
    scf.for %while3A_52 = %while3A_49 to %while3A_45 step %while3A_51  : i32 {
      %mul3A_53 = arith.constant 1024 : i32
      %mul3A_54 = arith.muli %while3A_52, %mul3A_53 : i32
      %add3A_55 = arith.constant 0 : i32
      %add3A_56 = arith.addi %mul3A_54, %add3A_55 : i32
      %dma_start3A_57 = arith.constant 0 : i32
      %dma_start3A_58 = arith.constant 0 : i32
      %dma_start3A_59 = tpu.memref_slice %arg9[%dma_start3A_57, %dma_start3A_58] : memref<1024x32xf32, #tpu.memory_space<vmem>> -> memref<128x32xf32, #tpu.memory_space<vmem>>
      %dma_start3A_60 = tpu.memref_slice %arg8[%add3A_56] : memref<8192xi32, #tpu.memory_space<vmem>> -> memref<128xi32, #tpu.memory_space<vmem>>
      %dma_start3A_61 = arith.constant 0 : i32
      %dma_start3A_62 = arith.constant 0 : i32
      %dma_start3A_63 = tpu.memref_slice %arg3[%dma_start3A_61, %dma_start3A_62] : memref<524288x32xf32, #tpu.memory_space<hbm>> -> memref<524288x32xf32, #tpu.memory_space<hbm>>
      tpu.enqueue_indirect_dma source(%dma_start3A_63 : memref<524288x32xf32, #tpu.memory_space<hbm>>) target(%dma_start3A_59 : memref<128x32xf32, #tpu.memory_space<vmem>>) offsets(%dma_start3A_60 : memref<128xi32, #tpu.memory_space<vmem>>) semaphore(%arg11 : memref<!tpu.dma_semaphore, #tpu.memory_space<semaphore_mem>>)
      %add3A_64 = arith.constant 128 : i32
      %add3A_65 = arith.addi %mul3A_54, %add3A_64 : i32
      %dma_start3A_66 = arith.constant 128 : i32
      %dma_start3A_67 = arith.constant 0 : i32
      %dma_start3A_68 = tpu.memref_slice %arg9[%dma_start3A_66, %dma_start3A_67] : memref<1024x32xf32, #tpu.memory_space<vmem>> -> memref<128x32xf32, #tpu.memory_space<vmem>>
      %dma_start3A_69 = tpu.memref_slice %arg8[%add3A_65] : memref<8192xi32, #tpu.memory_space<vmem>> -> memref<128xi32, #tpu.memory_space<vmem>>
      %dma_start3A_70 = arith.constant 0 : i32
      %dma_start3A_71 = arith.constant 0 : i32
      %dma_start3A_72 = tpu.memref_slice %arg3[%dma_start3A_70, %dma_start3A_71] : memref<524288x32xf32, #tpu.memory_space<hbm>> -> memref<524288x32xf32, #tpu.memory_space<hbm>>
      tpu.enqueue_indirect_dma source(%dma_start3A_72 : memref<524288x32xf32, #tpu.memory_space<hbm>>) target(%dma_start3A_68 : memref<128x32xf32, #tpu.memory_space<vmem>>) offsets(%dma_start3A_69 : memref<128xi32, #tpu.memory_space<vmem>>) semaphore(%arg11 : memref<!tpu.dma_semaphore, #tpu.memory_space<semaphore_mem>>)
      %add3A_73 = arith.constant 256 : i32
      %add3A_74 = arith.addi %mul3A_54, %add3A_73 : i32
      %dma_start3A_75 = arith.constant 256 : i32
      %dma_start3A_76 = arith.constant 0 : i32
      %dma_start3A_77 = tpu.memref_slice %arg9[%dma_start3A_75, %dma_start3A_76] : memref<1024x32xf32, #tpu.memory_space<vmem>> -> memref<128x32xf32, #tpu.memory_space<vmem>>
      %dma_start3A_78 = tpu.memref_slice %arg8[%add3A_74] : memref<8192xi32, #tpu.memory_space<vmem>> -> memref<128xi32, #tpu.memory_space<vmem>>
      %dma_start3A_79 = arith.constant 0 : i32
      %dma_start3A_80 = arith.constant 0 : i32
      %dma_start3A_81 = tpu.memref_slice %arg3[%dma_start3A_79, %dma_start3A_80] : memref<524288x32xf32, #tpu.memory_space<hbm>> -> memref<524288x32xf32, #tpu.memory_space<hbm>>
      tpu.enqueue_indirect_dma source(%dma_start3A_81 : memref<524288x32xf32, #tpu.memory_space<hbm>>) target(%dma_start3A_77 : memref<128x32xf32, #tpu.memory_space<vmem>>) offsets(%dma_start3A_78 : memref<128xi32, #tpu.memory_space<vmem>>) semaphore(%arg11 : memref<!tpu.dma_semaphore, #tpu.memory_space<semaphore_mem>>)
      %add3A_82 = arith.constant 384 : i32
      %add3A_83 = arith.addi %mul3A_54, %add3A_82 : i32
      %dma_start3A_84 = arith.constant 384 : i32
      %dma_start3A_85 = arith.constant 0 : i32
      %dma_start3A_86 = tpu.memref_slice %arg9[%dma_start3A_84, %dma_start3A_85] : memref<1024x32xf32, #tpu.memory_space<vmem>> -> memref<128x32xf32, #tpu.memory_space<vmem>>
      %dma_start3A_87 = tpu.memref_slice %arg8[%add3A_83] : memref<8192xi32, #tpu.memory_space<vmem>> -> memref<128xi32, #tpu.memory_space<vmem>>
      %dma_start3A_88 = arith.constant 0 : i32
      %dma_start3A_89 = arith.constant 0 : i32
      %dma_start3A_90 = tpu.memref_slice %arg3[%dma_start3A_88, %dma_start3A_89] : memref<524288x32xf32, #tpu.memory_space<hbm>> -> memref<524288x32xf32, #tpu.memory_space<hbm>>
      tpu.enqueue_indirect_dma source(%dma_start3A_90 : memref<524288x32xf32, #tpu.memory_space<hbm>>) target(%dma_start3A_86 : memref<128x32xf32, #tpu.memory_space<vmem>>) offsets(%dma_start3A_87 : memref<128xi32, #tpu.memory_space<vmem>>) semaphore(%arg11 : memref<!tpu.dma_semaphore, #tpu.memory_space<semaphore_mem>>)
      %add3A_91 = arith.constant 512 : i32
      %add3A_92 = arith.addi %mul3A_54, %add3A_91 : i32
      %dma_start3A_93 = arith.constant 512 : i32
      %dma_start3A_94 = arith.constant 0 : i32
      %dma_start3A_95 = tpu.memref_slice %arg9[%dma_start3A_93, %dma_start3A_94] : memref<1024x32xf32, #tpu.memory_space<vmem>> -> memref<128x32xf32, #tpu.memory_space<vmem>>
      %dma_start3A_96 = tpu.memref_slice %arg8[%add3A_92] : memref<8192xi32, #tpu.memory_space<vmem>> -> memref<128xi32, #tpu.memory_space<vmem>>
      %dma_start3A_97 = arith.constant 0 : i32
      %dma_start3A_98 = arith.constant 0 : i32
      %dma_start3A_99 = tpu.memref_slice %arg3[%dma_start3A_97, %dma_start3A_98] : memref<524288x32xf32, #tpu.memory_space<hbm>> -> memref<524288x32xf32, #tpu.memory_space<hbm>>
      tpu.enqueue_indirect_dma source(%dma_start3A_99 : memref<524288x32xf32, #tpu.memory_space<hbm>>) target(%dma_start3A_95 : memref<128x32xf32, #tpu.memory_space<vmem>>) offsets(%dma_start3A_96 : memref<128xi32, #tpu.memory_space<vmem>>) semaphore(%arg11 : memref<!tpu.dma_semaphore, #tpu.memory_space<semaphore_mem>>)
      %add3A_100 = arith.constant 640 : i32
      %add3A_101 = arith.addi %mul3A_54, %add3A_100 : i32
      %dma_start3A_102 = arith.constant 640 : i32
      %dma_start3A_103 = arith.constant 0 : i32
      %dma_start3A_104 = tpu.memref_slice %arg9[%dma_start3A_102, %dma_start3A_103] : memref<1024x32xf32, #tpu.memory_space<vmem>> -> memref<128x32xf32, #tpu.memory_space<vmem>>
      %dma_start3A_105 = tpu.memref_slice %arg8[%add3A_101] : memref<8192xi32, #tpu.memory_space<vmem>> -> memref<128xi32, #tpu.memory_space<vmem>>
      %dma_start3A_106 = arith.constant 0 : i32
      %dma_start3A_107 = arith.constant 0 : i32
      %dma_start3A_108 = tpu.memref_slice %arg3[%dma_start3A_106, %dma_start3A_107] : memref<524288x32xf32, #tpu.memory_space<hbm>> -> memref<524288x32xf32, #tpu.memory_space<hbm>>
      tpu.enqueue_indirect_dma source(%dma_start3A_108 : memref<524288x32xf32, #tpu.memory_space<hbm>>) target(%dma_start3A_104 : memref<128x32xf32, #tpu.memory_space<vmem>>) offsets(%dma_start3A_105 : memref<128xi32, #tpu.memory_space<vmem>>) semaphore(%arg11 : memref<!tpu.dma_semaphore, #tpu.memory_space<semaphore_mem>>)
      %add3A_109 = arith.constant 768 : i32
      %add3A_110 = arith.addi %mul3A_54, %add3A_109 : i32
      %dma_start3A_111 = arith.constant 768 : i32
      %dma_start3A_112 = arith.constant 0 : i32
      %dma_start3A_113 = tpu.memref_slice %arg9[%dma_start3A_111, %dma_start3A_112] : memref<1024x32xf32, #tpu.memory_space<vmem>> -> memref<128x32xf32, #tpu.memory_space<vmem>>
      %dma_start3A_114 = tpu.memref_slice %arg8[%add3A_110] : memref<8192xi32, #tpu.memory_space<vmem>> -> memref<128xi32, #tpu.memory_space<vmem>>
      %dma_start3A_115 = arith.constant 0 : i32
      %dma_start3A_116 = arith.constant 0 : i32
      %dma_start3A_117 = tpu.memref_slice %arg3[%dma_start3A_115, %dma_start3A_116] : memref<524288x32xf32, #tpu.memory_space<hbm>> -> memref<524288x32xf32, #tpu.memory_space<hbm>>
      tpu.enqueue_indirect_dma source(%dma_start3A_117 : memref<524288x32xf32, #tpu.memory_space<hbm>>) target(%dma_start3A_113 : memref<128x32xf32, #tpu.memory_space<vmem>>) offsets(%dma_start3A_114 : memref<128xi32, #tpu.memory_space<vmem>>) semaphore(%arg11 : memref<!tpu.dma_semaphore, #tpu.memory_space<semaphore_mem>>)
      %add3A_118 = arith.constant 896 : i32
      %add3A_119 = arith.addi %mul3A_54, %add3A_118 : i32
      %dma_start3A_120 = arith.constant 896 : i32
      %dma_start3A_121 = arith.constant 0 : i32
      %dma_start3A_122 = tpu.memref_slice %arg9[%dma_start3A_120, %dma_start3A_121] : memref<1024x32xf32, #tpu.memory_space<vmem>> -> memref<128x32xf32, #tpu.memory_space<vmem>>
      %dma_start3A_123 = tpu.memref_slice %arg8[%add3A_119] : memref<8192xi32, #tpu.memory_space<vmem>> -> memref<128xi32, #tpu.memory_space<vmem>>
      %dma_start3A_124 = arith.constant 0 : i32
      %dma_start3A_125 = arith.constant 0 : i32
      %dma_start3A_126 = tpu.memref_slice %arg3[%dma_start3A_124, %dma_start3A_125] : memref<524288x32xf32, #tpu.memory_space<hbm>> -> memref<524288x32xf32, #tpu.memory_space<hbm>>
      tpu.enqueue_indirect_dma source(%dma_start3A_126 : memref<524288x32xf32, #tpu.memory_space<hbm>>) target(%dma_start3A_122 : memref<128x32xf32, #tpu.memory_space<vmem>>) offsets(%dma_start3A_123 : memref<128xi32, #tpu.memory_space<vmem>>) semaphore(%arg11 : memref<!tpu.dma_semaphore, #tpu.memory_space<semaphore_mem>>)
      %dma_wait3A_127 = arith.constant 0 : i32
      %dma_wait3A_128 = arith.constant 0 : i32
      %dma_wait3A_129 = tpu.memref_slice %arg9[%dma_wait3A_127, %dma_wait3A_128] : memref<1024x32xf32, #tpu.memory_space<vmem>> -> memref<128x32xf32, #tpu.memory_space<vmem>>
      %dma_wait3A_130 = tpu.memref_slice %arg8[%add3A_56] : memref<8192xi32, #tpu.memory_space<vmem>> -> memref<128xi32, #tpu.memory_space<vmem>>
      %dma_wait3A_131 = arith.constant 0 : i32
      %dma_wait3A_132 = arith.constant 0 : i32
      %dma_wait3A_133 = tpu.memref_slice %arg3[%dma_wait3A_131, %dma_wait3A_132] : memref<524288x32xf32, #tpu.memory_space<hbm>> -> memref<524288x32xf32, #tpu.memory_space<hbm>>
      tpu.wait_indirect_dma semaphore(%arg11 : memref<!tpu.dma_semaphore, #tpu.memory_space<semaphore_mem>>) src(%dma_wait3A_133 : memref<524288x32xf32, #tpu.memory_space<hbm>>) dst(%dma_wait3A_129 : memref<128x32xf32, #tpu.memory_space<vmem>>)
      %dma_wait3A_134 = arith.constant 128 : i32
      %dma_wait3A_135 = arith.constant 0 : i32
      %dma_wait3A_136 = tpu.memref_slice %arg9[%dma_wait3A_134, %dma_wait3A_135] : memref<1024x32xf32, #tpu.memory_space<vmem>> -> memref<128x32xf32, #tpu.memory_space<vmem>>
      %dma_wait3A_137 = tpu.memref_slice %arg8[%add3A_65] : memref<8192xi32, #tpu.memory_space<vmem>> -> memref<128xi32, #tpu.memory_space<vmem>>
      %dma_wait3A_138 = arith.constant 0 : i32
      %dma_wait3A_139 = arith.constant 0 : i32
      %dma_wait3A_140 = tpu.memref_slice %arg3[%dma_wait3A_138, %dma_wait3A_139] : memref<524288x32xf32, #tpu.memory_space<hbm>> -> memref<524288x32xf32, #tpu.memory_space<hbm>>
      tpu.wait_indirect_dma semaphore(%arg11 : memref<!tpu.dma_semaphore, #tpu.memory_space<semaphore_mem>>) src(%dma_wait3A_140 : memref<524288x32xf32, #tpu.memory_space<hbm>>) dst(%dma_wait3A_136 : memref<128x32xf32, #tpu.memory_space<vmem>>)
      %dma_wait3A_141 = arith.constant 256 : i32
      %dma_wait3A_142 = arith.constant 0 : i32
      %dma_wait3A_143 = tpu.memref_slice %arg9[%dma_wait3A_141, %dma_wait3A_142] : memref<1024x32xf32, #tpu.memory_space<vmem>> -> memref<128x32xf32, #tpu.memory_space<vmem>>
      %dma_wait3A_144 = tpu.memref_slice %arg8[%add3A_74] : memref<8192xi32, #tpu.memory_space<vmem>> -> memref<128xi32, #tpu.memory_space<vmem>>
      %dma_wait3A_145 = arith.constant 0 : i32
      %dma_wait3A_146 = arith.constant 0 : i32
      %dma_wait3A_147 = tpu.memref_slice %arg3[%dma_wait3A_145, %dma_wait3A_146] : memref<524288x32xf32, #tpu.memory_space<hbm>> -> memref<524288x32xf32, #tpu.memory_space<hbm>>
      tpu.wait_indirect_dma semaphore(%arg11 : memref<!tpu.dma_semaphore, #tpu.memory_space<semaphore_mem>>) src(%dma_wait3A_147 : memref<524288x32xf32, #tpu.memory_space<hbm>>) dst(%dma_wait3A_143 : memref<128x32xf32, #tpu.memory_space<vmem>>)
      %dma_wait3A_148 = arith.constant 384 : i32
      %dma_wait3A_149 = arith.constant 0 : i32
      %dma_wait3A_150 = tpu.memref_slice %arg9[%dma_wait3A_148, %dma_wait3A_149] : memref<1024x32xf32, #tpu.memory_space<vmem>> -> memref<128x32xf32, #tpu.memory_space<vmem>>
      %dma_wait3A_151 = tpu.memref_slice %arg8[%add3A_83] : memref<8192xi32, #tpu.memory_space<vmem>> -> memref<128xi32, #tpu.memory_space<vmem>>
      %dma_wait3A_152 = arith.constant 0 : i32
      %dma_wait3A_153 = arith.constant 0 : i32
      %dma_wait3A_154 = tpu.memref_slice %arg3[%dma_wait3A_152, %dma_wait3A_153] : memref<524288x32xf32, #tpu.memory_space<hbm>> -> memref<524288x32xf32, #tpu.memory_space<hbm>>
      tpu.wait_indirect_dma semaphore(%arg11 : memref<!tpu.dma_semaphore, #tpu.memory_space<semaphore_mem>>) src(%dma_wait3A_154 : memref<524288x32xf32, #tpu.memory_space<hbm>>) dst(%dma_wait3A_150 : memref<128x32xf32, #tpu.memory_space<vmem>>)
      %dma_wait3A_155 = arith.constant 512 : i32
      %dma_wait3A_156 = arith.constant 0 : i32
      %dma_wait3A_157 = tpu.memref_slice %arg9[%dma_wait3A_155, %dma_wait3A_156] : memref<1024x32xf32, #tpu.memory_space<vmem>> -> memref<128x32xf32, #tpu.memory_space<vmem>>
      %dma_wait3A_158 = tpu.memref_slice %arg8[%add3A_92] : memref<8192xi32, #tpu.memory_space<vmem>> -> memref<128xi32, #tpu.memory_space<vmem>>
      %dma_wait3A_159 = arith.constant 0 : i32
      %dma_wait3A_160 = arith.constant 0 : i32
      %dma_wait3A_161 = tpu.memref_slice %arg3[%dma_wait3A_159, %dma_wait3A_160] : memref<524288x32xf32, #tpu.memory_space<hbm>> -> memref<524288x32xf32, #tpu.memory_space<hbm>>
      tpu.wait_indirect_dma semaphore(%arg11 : memref<!tpu.dma_semaphore, #tpu.memory_space<semaphore_mem>>) src(%dma_wait3A_161 : memref<524288x32xf32, #tpu.memory_space<hbm>>) dst(%dma_wait3A_157 : memref<128x32xf32, #tpu.memory_space<vmem>>)
      %dma_wait3A_162 = arith.constant 640 : i32
      %dma_wait3A_163 = arith.constant 0 : i32
      %dma_wait3A_164 = tpu.memref_slice %arg9[%dma_wait3A_162, %dma_wait3A_163] : memref<1024x32xf32, #tpu.memory_space<vmem>> -> memref<128x32xf32, #tpu.memory_space<vmem>>
      %dma_wait3A_165 = tpu.memref_slice %arg8[%add3A_101] : memref<8192xi32, #tpu.memory_space<vmem>> -> memref<128xi32, #tpu.memory_space<vmem>>
      %dma_wait3A_166 = arith.constant 0 : i32
      %dma_wait3A_167 = arith.constant 0 : i32
      %dma_wait3A_168 = tpu.memref_slice %arg3[%dma_wait3A_166, %dma_wait3A_167] : memref<524288x32xf32, #tpu.memory_space<hbm>> -> memref<524288x32xf32, #tpu.memory_space<hbm>>
      tpu.wait_indirect_dma semaphore(%arg11 : memref<!tpu.dma_semaphore, #tpu.memory_space<semaphore_mem>>) src(%dma_wait3A_168 : memref<524288x32xf32, #tpu.memory_space<hbm>>) dst(%dma_wait3A_164 : memref<128x32xf32, #tpu.memory_space<vmem>>)
      %dma_wait3A_169 = arith.constant 768 : i32
      %dma_wait3A_170 = arith.constant 0 : i32
      %dma_wait3A_171 = tpu.memref_slice %arg9[%dma_wait3A_169, %dma_wait3A_170] : memref<1024x32xf32, #tpu.memory_space<vmem>> -> memref<128x32xf32, #tpu.memory_space<vmem>>
      %dma_wait3A_172 = tpu.memref_slice %arg8[%add3A_110] : memref<8192xi32, #tpu.memory_space<vmem>> -> memref<128xi32, #tpu.memory_space<vmem>>
      %dma_wait3A_173 = arith.constant 0 : i32
      %dma_wait3A_174 = arith.constant 0 : i32
      %dma_wait3A_175 = tpu.memref_slice %arg3[%dma_wait3A_173, %dma_wait3A_174] : memref<524288x32xf32, #tpu.memory_space<hbm>> -> memref<524288x32xf32, #tpu.memory_space<hbm>>
      tpu.wait_indirect_dma semaphore(%arg11 : memref<!tpu.dma_semaphore, #tpu.memory_space<semaphore_mem>>) src(%dma_wait3A_175 : memref<524288x32xf32, #tpu.memory_space<hbm>>) dst(%dma_wait3A_171 : memref<128x32xf32, #tpu.memory_space<vmem>>)
      %dma_wait3A_176 = arith.constant 896 : i32
      %dma_wait3A_177 = arith.constant 0 : i32
      %dma_wait3A_178 = tpu.memref_slice %arg9[%dma_wait3A_176, %dma_wait3A_177] : memref<1024x32xf32, #tpu.memory_space<vmem>> -> memref<128x32xf32, #tpu.memory_space<vmem>>
      %dma_wait3A_179 = tpu.memref_slice %arg8[%add3A_119] : memref<8192xi32, #tpu.memory_space<vmem>> -> memref<128xi32, #tpu.memory_space<vmem>>
      %dma_wait3A_180 = arith.constant 0 : i32
      %dma_wait3A_181 = arith.constant 0 : i32
      %dma_wait3A_182 = tpu.memref_slice %arg3[%dma_wait3A_180, %dma_wait3A_181] : memref<524288x32xf32, #tpu.memory_space<hbm>> -> memref<524288x32xf32, #tpu.memory_space<hbm>>
      tpu.wait_indirect_dma semaphore(%arg11 : memref<!tpu.dma_semaphore, #tpu.memory_space<semaphore_mem>>) src(%dma_wait3A_182 : memref<524288x32xf32, #tpu.memory_space<hbm>>) dst(%dma_wait3A_178 : memref<128x32xf32, #tpu.memory_space<vmem>>)
      %add3A_183 = arith.addi %mul3A_2, %mul3A_54 : i32
      "tpu.region"() ({
        %run_scoped3A = tpu.sem_alloc : memref<!tpu.dma_semaphore, #tpu.memory_space<semaphore_mem>>
        %dma_start3A_184 = arith.constant 0 : i32
        %dma_start3A_185 = tpu.memref_slice %arg4[%add3A_183, %dma_start3A_184] : memref<262144x32xf32, #tpu.memory_space<hbm>> -> memref<1024x32xf32, #tpu.memory_space<hbm>>
        %dma_start3A_186 = arith.constant 0 : i32
        %dma_start3A_187 = tpu.memref_slice %arg4[%add3A_183, %dma_start3A_186] : memref<262144x32xf32, #tpu.memory_space<hbm>> -> memref<1024x32xf32, #tpu.memory_space<hbm>>
        tpu.enqueue_dma source(%arg9 : memref<1024x32xf32, #tpu.memory_space<vmem>>) target(%dma_start3A_187 : memref<1024x32xf32, #tpu.memory_space<hbm>>) target_semaphore(%run_scoped3A : memref<!tpu.dma_semaphore, #tpu.memory_space<semaphore_mem>>)
        %dma_wait3A_188 = arith.constant 0 : i32
        %dma_wait3A_189 = tpu.memref_slice %arg4[%add3A_183, %dma_wait3A_188] : memref<262144x32xf32, #tpu.memory_space<hbm>> -> memref<1024x32xf32, #tpu.memory_space<hbm>>
        %dma_wait3A_190 = arith.constant 0 : i32
        %dma_wait3A_191 = tpu.memref_slice %arg4[%add3A_183, %dma_wait3A_190] : memref<262144x32xf32, #tpu.memory_space<hbm>> -> memref<1024x32xf32, #tpu.memory_space<hbm>>
        tpu.wait_dma2 semaphore(%run_scoped3A : memref<!tpu.dma_semaphore, #tpu.memory_space<semaphore_mem>>) src(%arg9 : memref<1024x32xf32, #tpu.memory_space<vmem>>) dst(%dma_wait3A_191 : memref<1024x32xf32, #tpu.memory_space<hbm>>)
        tpu.yield
      }) : () -> ()
    }
    return
  }
}

</mosaic_0001>

<sc_bundles>
// kernel: kernel.3.cloned.1.call-start
scs
__scs_entry_jumppad:
0x0: {  	(pc) =	sbr.rel $0x88, $3  }
0x1: {  	(tag) =	ssettag $0x0;
	lr =	simm.s32 $0x1  }
0x2: {  	[smem:$0x3F9F] =	sst lr;
	_ =	strace $0xD0000000  }
0x3: {  	_ = 	snop  }
0x4: {  	_ = 	snop  }
0x5: {  	_ = 	snop  }
0x6: {  	_ = 	snop  }
0x7: {  	_ = 	snop  }
__scs_overlays_trampoline_lowered:
0x8: {  	[smem:$0x3FAE] =	sst s0  }
0x9: {  	[smem:$0x3FAF] =	sst s1  }
0xa: {  	[smem:$0x3FB0] =	sst s2  }
0xb: {  	[smem:$0x3FB1] =	sst s3  }
0xc: {  	[smem:$0x3FB2] =	sst s4  }
0xd: {  	[smem:$0x3FB3] =	sst s5  }
0xe: {  	[smem:$0x3FB4] =	sst s6  }
0xf: {  	[smem:$0x3FB5] =	sst s7  }
0x10: {  	[smem:$0x3FB6] =	sst s8  }
0x11: {  	[smem:$0x3FB7] =	sst s9;
	s0 =	simm.s32 @!p0 $0x0  }
0x12: {  	s1 =	sld [smem:$0x3F9D];
	s0 =	simm.s32 @p0 $0x1  }
0x13: {  	[smem:$0x3FB8] =	sst s0;
	s0 =	simm.s32 @!p1 $0x0  }
0x14: {  	s2 =	sld [smem:$0x3F9C];
	s0 =	simm.s32 @p1 $0x1  }
0x15: {  	[smem:$0x3FB9] =	sst s0;
	s0 =	simm.s32 @!p2 $0x0  }
0x16: {  	s3 =	sld [smem:$0x3FDB];
	s0 =	simm.s32 @p2 $0x1  }
0x17: {  	s4 =	simm.s32 $0x1BF5;
	[smem:$0x3FBB] =	sst s0  }
0x18: {  	s0 =	sld [smem:$0x3F9E];
	_ =	swait.ge [sflag:s4], $0x0  }
0x19: {  	s7 =	sld [smem:$0x3F9F]  }
0x1a: {  	s8 =	sadd.s32 $0xFFFFE003, lr  }
0x1b: {  	s9 =	sadd.s32 $0xFFFFFEF7, lr;
	s5 =	simm.s32 $0xFFFFFFFF;
	p2 =	slt.u32 s8, $0xFFFFF086  }
0x1c: {  	p1 =	slt.u32 s9, $0xF7A;
	s5 =	simm.s32 @!p2 $0x0  }
0x1d: {  	s5 =	simm.s32 @p1 $0x1;
	p0 =	seq.s32 s7, s2  }
0x1e: {  	s7 =	smul.u32 @!p0 $0xF7A, s2;
	p2 =	seq.s32 @!p0 s5, $0x0  }
0x1f: {  	s9 =	smul.u32 $0xF7A, s1;
	s8 =	simm.s32 @!p0 $0x1BF5;
	p2 =	por !p2, p0  }
0x20: {  	[sflag:s8] =	ssyncset.s32 @!p0 $0xFFFFF086;
	s6 =	sadd.s32 @!p0 s3, s7;
	s7 =	simm.s32 @!p0 $0x108  }
0x21: {  	s3 =	sadd.s32 s3, s9;
	s6 =	sadd.s32 @!p0 $0x88, s6;
	s7 =	simm.s32 @p2 $0x1082  }
0x22: {  	[simem:s7], [sflag:s8] =	dma.local @!p0 [hbm:s6], $0xF7A  }
0x23: {  	s9 =	sor.u32 $0xD0000000, s2;
	s6 =	simm.s32 $0x108;
	_ =	swait.ge @!p0 [sflag:s8], $0x0  }
0x24: {  	s3 =	sadd.s32 $0x88, s3;
	s6 =	simm.s32 @!p1 $0x1082;
	[sflag:s4] =	ssyncset.s32 $0xFFFFF086  }
0x25: {  	[simem:s6], [sflag:s4] =	dma.local [hbm:s3], $0xF7A  }
0x26: {  	[smem:$0x3F9F] =	sst s1;
	(tag) =	ssettag s2;
	_ =	strace s9  }
0x27: {  	s1 =	sld [smem:$0x3FAF]  }
0x28: {  	s2 =	sld [smem:$0x3FB0]  }
0x29: {  	s4 =	sld [smem:$0x3FB2]  }
0x2a: {  	p0 =	seq.s32 s5, $0x0;
	s5 =	sld [smem:$0x3FB3]  }
0x2b: {  	s6 =	sld [smem:$0x3FB4]  }
0x2c: {  	s7 =	sld [smem:$0x3FB5]  }
0x2d: {  	s3 =	simm.s32 $0x108;
	s8 =	sld [smem:$0x3FB6]  }
0x2e: {  	s3 =	simm.s32 @!p0 $0x1082;
	s9 =	sld [smem:$0x3FB7]  }
0x2f: {  	lr =	sadd.s32 s0, s3;
	s0 =	sld [smem:$0x3FAE]  }
0x30: {  	s3 =	sld [smem:$0x3FB1]  }
0x31: {  	[smem:$0x3FBA] =	sst s10  }
0x32: {  	s10 =	sld [smem:$0x3FB8];
	_ =	sdelay $0x3  }
0x33: {  	p0 =	seq.s32 s10, $0x1;
	s10 =	sld [smem:$0x3FBA];
	_ =	sdelay $0x3  }
0x34: {  	[smem:$0x3FBA] =	sst s10  }
0x35: {  	s10 =	sld [smem:$0x3FB9];
	_ =	sdelay $0x3  }
0x36: {  	p1 =	seq.s32 s10, $0x1;
	s10 =	sld [smem:$0x3FBA];
	_ =	sdelay $0x3  }
0x37: {  	[smem:$0x3FBA] =	sst s10  }
0x38: {  	s10 =	sld [smem:$0x3FBB]  }
0x39: {  	_ = 	snop;
	(pc) =	sbr.ind lr, $3  }
0x3a: {  	_ = 	snop  }
0x3b: {  	_ = 	snop  }
0x3c: {  	p2 =	seq.s32 s10, $0x1;
	s10 =	sld [smem:$0x3FBA]  }
0x3d: {  	_ =	shalt  }
0x3e: {  	_ =	shalt  }
0x3f: {  	_ =	shalt  }
0x40: {  	_ =	shalt  }
0x41: {  	_ =	shalt  }
0x42: {  	_ =	shalt  }
0x43: {  	_ =	shalt  }
0x44: {  	_ =	shalt  }
0x45: {  	_ =	shalt  }
0x46: {  	_ =	shalt  }
0x47: {  	_ =	shalt  }
0x48: {  	_ =	shalt  }
0x49: {  	_ =	shalt  }
0x4a: {  	_ =	shalt  }
0x4b: {  	_ =	shalt  }
0x4c: {  	_ =	shalt  }
0x4d: {  	_ =	shalt  }
0x4e: {  	_ =	shalt  }
0x4f: {  	_ =	shalt  }
0x50: {  	_ =	shalt  }
0x51: {  	_ =	shalt  }
0x52: {  	_ =	shalt  }
0x53: {  	_ =	shalt  }
0x54: {  	_ =	shalt  }
0x55: {  	_ =	shalt  }
0x56: {  	_ =	shalt  }
0x57: {  	_ =	shalt  }
0x58: {  	_ =	shalt  }
0x59: {  	_ =	shalt  }
0x5a: {  	_ =	shalt  }
0x5b: {  	_ =	shalt  }
0x5c: {  	_ =	shalt  }
0x5d: {  	_ =	shalt  }
0x5e: {  	_ =	shalt  }
0x5f: {  	_ =	shalt  }
0x60: {  	_ =	shalt  }
0x61: {  	_ =	shalt  }
0x62: {  	_ =	shalt  }
0x63: {  	_ =	shalt  }
0x64: {  	_ =	shalt  }
0x65: {  	_ =	shalt  }
0x66: {  	_ =	shalt  }
0x67: {  	_ =	shalt  }
0x68: {  	_ =	shalt  }
0x69: {  	_ =	shalt  }
0x6a: {  	_ =	shalt  }
0x6b: {  	_ =	shalt  }
0x6c: {  	_ =	shalt  }
0x6d: {  	_ =	shalt  }
0x6e: {  	_ =	shalt  }
0x6f: {  	_ =	shalt  }
0x70: {  	_ =	shalt  }
0x71: {  	_ =	shalt  }
0x72: {  	_ =	shalt  }
0x73: {  	_ =	shalt  }
0x74: {  	_ =	shalt  }
0x75: {  	_ =	shalt  }
0x76: {  	_ =	shalt  }
0x77: {  	_ =	shalt  }
0x78: {  	_ =	shalt  }
0x79: {  	_ =	shalt  }
0x7a: {  	_ =	shalt  }
0x7b: {  	_ =	shalt  }
0x7c: {  	_ =	shalt  }
0x7d: {  	_ =	shalt  }
0x7e: {  	_ =	shalt  }
0x7f: {  	_ =	shalt  }
0x80: {  	_ =	shalt  }
0x81: {  	_ =	shalt  }
0x82: {  	_ =	shalt  }
0x83: {  	_ =	shalt  }
0x84: {  	_ =	shalt  }
0x85: {  	_ =	shalt  }
0x86: {  	_ =	shalt  }
0x87: {  	_ =	shalt  }
.Lfunc_end0:
.L_simem_size_0:
called_computation.2_lowered:
.L_overlay_start_0:
0x88: {  	s2 =	sld [smem:$0x3FD9]  }
0x89: {  	s3 =	sld [smem:$0x3FFE];
	_ =	sdelay $0x1  }
0x8a: {  	s1 =	srdreg.scid  }
0x8b: {  	s0 =	sand.u32 $0x1, s1  }
0x8c: {  	s17 =	sshll.u32 s0, $0xA;
	s2 =	sadd.s32 s3, s2  }
0x8d: {  	s2 =	sadd.s32 s2, s17  }
0x8e: {  	[smem:$0x3FC6] =	sst s2  }
0x8f: {  	_ = 	snop  }
0x90: {  	s2 =	sld [smem:$0x3FD0];
	(tm) =	ssettm $0x1  }
0x91: {  	s18 =	sld [smem:$0x3FFB];
	_ =	sdelay $0x3  }
0x92: {  	_ =	strace s18  }
0x93: {  	s3 =	sld [smem:$0x3FFC];
	_ =	sdelay $0x3  }
0x94: {  	_ =	strace s3  }
0x95: {  	s3 =	sld [smem:$0x3FFD];
	_ =	sdelay $0x3  }
0x96: {  	_ =	strace s3  }
0x97: {  	_ =	strace $0x8FFFFFFF  }
0x98: {  	s19 =	sld [smem:$0x3FDB];
	_ =	sdelay $0x1  }
0x99: {  	s4 =	simm.s32 $_scs_section_size  }
0x9a: {  	s5 =	simm.s32 $_size__tile_overlayer_lowered;
	s6 =	simm.s32 $_tile_overlayer_lowered  }
0x9b: {  	s22 =	simm.s32 $0x1BFF;
	s21 =	sshll.u32 s6, $0x1;
	s3 =	sadd.s32 s4, s19  }
0x9c: {  	s7 =	simm.s32 $0x0;
	s20 =	sshll.u32 s5, $0x1;
	s5 =	sadd.s32 s21, s3  }
0x9d: {  	[timem:s7], [sflag:s22] =	dma.local [hbm:s5], s20  }
0x9e: {  	_ =	swait.ge [sflag:s22], s20  }
0x9f: {  	s4 =	ssub.s32 $0x0, s20;
	[sflag:s22] =	ssyncset.done $0x0  }
0xa0: {  	[sflag:s22] =	ssyncadd.s32 s4;
	_ =	sdelay $0x1  }
0xa1: {  	s23 =	simm.s32 $0x1B8B  }
0xa2: {  	_ =	swait.ge [sflag:s23], $0x1  }
0xa3: {  	[sflag:s23] =	ssyncset.done $0x0  }
0xa4: {  	s25 =	simm.s32 $0x1B8E;
	s24 =	sld [smem:$0x3FFE];
	[sflag:s23] =	ssyncadd.s32 $0xFFFFFFFF  }
0xa5: {  	s26 =	simm.s32 $execute0_lowered;
	[smem:$0x3FD2] =	sst s25  }
0xa6: {  	s5 =	sshll.u32 s26, $0x1;
	_ =	strace $0x80000049;
	[dreg:$0x1] =	wrdreg $0xFFFFFFFF  }
0xa7: {  	s28 =	simm.s32 $_size_execute0_lowered;
	s3 =	sadd.s32 s3, s5;
	[dreg:$0x0] =	wrdreg $0x0  }
0xa8: {  	s5 =	sshll.u32 s28, $0x1;
	[dreg:$0x2] =	wrdreg s3  }
0xa9: {  	[dreg:$0x3] =	wrdreg s5  }
0xaa: {  	[dreg:$0x4] =	wrdreg $0xC0  }
0xab: {  	_ =	task [dreg:s7], $0x5FFFF  }
0xac: {  	[dreg:$0x1] =	wrdreg $0xFFFFFFFF  }
0xad: {  	[dreg:$0x0] =	wrdreg $0x60  }
0xae: {  	[dreg:$0x2] =	wrdreg s24  }
0xaf: {  	[dreg:$0x3] =	wrdreg s2  }
0xb0: {  	[dreg:$0x4] =	wrdreg $0x9  }
0xb1: {  	_ =	task.clear_ibuf [dreg:s7], $0x5FFFF;
	_ =	strace $0x90000049  }
0xb2: {  	s29 =	simm.s32 $0x9;
	_ =	strace $0x8000004B  }
0xb3: {  	_ =	swait.ge [sflag:s29], $0x1  }
0xb4: {  	[sflag:s29] =	ssyncadd.s32 $0xFFFFFFFF  }
0xb5: {  	_ =	strace $0x9000004B  }
0xb6: {  	_ =	sfence  }
0xb7: {  	s30 =	sld [smem:$0x0];
	_ =	sdelay $0x2  }
0xb8: {  	s31 =	sshll.u32 s1, $0xD;
	s1 =	sshrl.u32 s1, $0x2  }
0xb9: {  	s3 =	sand.u32 $0x4000, s31;
	s1 =	sadd.s32 s1, s30  }
0xba: {  	s0 =	sor.u32 s3, s0;
	s1 =	sshll.u32 s1, $0x11  }
0xbb: {  	s0 =	sor.u32 s1, s0  }
0xbc: {  	s0 =	sadd.s32 $0x8F2B, s0  }
0xbd: {  	[sflag:s0] =	ssyncadd.remote.s32 $0x1  }
0xbe: {  	_ =	sfence.sel $0xFFFF  }
0xbf: {  	[dreg:$0x0] =	wrdreg $0xFFFFFFFF;
	(pc) =	sbr.abs _section_cstart, $3  }
0xc0: {  	[dreg:$0x1] =	wrdreg $0xFFFFFFFF  }
0xc1: {  	_ =	task.clear_ibuf [dreg:s7], $0x2FFFF;
	_ =	strace $0x9FFFFFFF  }
0xc2: {  	(tm) =	ssettm $0x7FFFFFFF  }
0xc3: {  	_ =	shalt  }
tec
execute0_lowered:
.L_overlay_start_1:
0x0: {  	(tag) =	ssettag $0x1  }
0x1: {  	s3 =	rddreg [dreg:$0x0]  }
0x2: {  	s6 =	rddreg [dreg:$0x1];
	s2 =	srdreg.scid  }
0x3: {  	s0 =	rddreg [dreg:$0x2];
	s1 =	stileid.u32  }
0x4: {  	s12 =	simm.s32 $0x80;
	s13 =	simm.s32 $0x8000;
	s14 =	simm.s32 $0x9000  }
0x5: {  	s15 =	simm.s32 $0xA000;
	s16 =	simm.s32 $0xB000;
	s17 =	simm.s32 $0xC000  }
0x6: {  	s18 =	simm.s32 $0xD000;
	s19 =	simm.s32 $0xE000;
	s20 =	simm.s32 $0xF000  }
0x7: {  	s21 =	simm.s32 $0x2;
	s22 =	simm.s32 $0x3;
	s23 =	simm.s32 $0x0  }
0x8: {  	s7 =	sand.u32 $0x1, s2;
	s2 =	simm.s32 $0x0;
	s4 =	sshll.u32 s1, $0xE  }
0x9: {  	s10 =	sshll.u32 s1, $0x10;
	s5 =	sshll.u32 s7, $0xD;
	[smem:$0x7FF] =	sst s2  }
0xa: {  	s30 =	ssub.s32 $0x2, s7;
	s10 =	sadd.s32 s10, s6;
	s4 =	sor.u32 s5, s4  }
0xb: {  	s11 =	sshll.u32 s7, $0xF;
	s31 =	sshrl.u32 s30, $0x1;
	s4 =	sshrl.u32 s4, $0x3  }
0xc: {  	_ =	strace $0x8000004A;
	s9 =	ssub.s32 s30, s31;
	s8 =	sadd.s32 s4, s3  }
0xd: {  	s7 =	smax.u32 s9, $0x1;
	s9 =	simm.s32 $0x2000;
	s4 =	sadd.s32 $0xA00E00, s8  }
0xe: {  	s3 =	sadd.s32 $0xE00, s3;
	s5 =	sadd.s32 $0xA08E00, s8;
	s6 =	sadd.s32 $0xA10E00, s8  }
0xf: {  	s8 =	sadd.s32 s11, s10;
	s10 =	simm.s32 $0x4000;
	s11 =	simm.s32 $0x1  }
.LBB2_1:
0x10: {  	[tilespmem:s2], [sflag:$0x1] =	stream.linear.gather [hbm4b:s4+s2], $0x2000, $0x38;
	[tilespmem:$0x10000] =	vst v63  }
0x11: {  	_ = 	snop  }
0x12: {  	[tilespmem:s9], [sflag:$0x1] =	stream.linear.gather [hbm4b:s5+s2], $0x2000, $0x38;
	[tilespmem:$0x10000] =	vst v63  }
0x13: {  	_ = 	snop  }
0x14: {  	[tilespmem:s10], [sflag:$0x1] =	stream.linear.gather [hbm4b:s6+s2], $0x2000, $0x38;
	[tilespmem:$0x10000] =	vst v63  }
0x15: {  	_ =	swait.ge [sflag:s11], $0x2000  }
0x16: {  	[sflag:s11] =	ssyncset.done $0x0  }
0x17: {  	[sflag:s11] =	ssyncadd.s32 $0xFFFFE000  }
0x18: {  	_ =	swait.ge [sflag:s11], $0x2000  }
0x19: {  	[sflag:s11] =	ssyncset.done $0x0  }
0x1a: {  	[sflag:s11] =	ssyncadd.s32 $0xFFFFE000  }
0x1b: {  	_ =	swait.ge [sflag:s11], $0x2000  }
0x1c: {  	[sflag:s11] =	ssyncset.done $0x0  }
0x1d: {  	s24 =	simm.s32 $0x0;
	[sflag:s11] =	ssyncadd.s32 $0xFFFFE000  }
0x1e: {  	v0 =	vld [tilespmem:s24+$0x2000]  }
0x1f: {  	v1 =	vld [tilespmem:s24+$0x4000]  }
0x20: {  	v2 =	vld [tilespmem:s24+$0x0];
	_ =	sdelay $0x2  }
0x21: {  	v0 =	vmul.f32 $5.120000000e+02, v0  }
0x22: {  	s25 =	simm.s32 $0x10;
	v3 =	vmul.f32 $5.120000000e+02, v1  }
0x23: {  	v2 =	vmul.f32 $5.120000000e+02, v2;
	v1 =	vtrunc.f32 v0;
	v0 =	vld [tilespmem:s25+$0x2000]  }
0x24: {  	v5 =	vcvt.f32.s32 v1;
	v1 =	vld [tilespmem:s25+$0x4000]  }
0x25: {  	v3 =	vtrunc.f32 v3;
	v6 =	vtrunc.f32 v2;
	v2 =	vld [tilespmem:s25+$0x0]  }
0x26: {  	v4 =	vcvt.f32.s32 v3  }
0x27: {  	s26 =	simm.s32 $0x80;
	v3 =	vcvt.f32.s32 v6;
	v5 =	vmul.u32 $0x779B1, v5  }
.LBB2_2:
0x28: {  	s28 =	sshra.s32 s26, $0x2;
	p0 =	sne.s32 s26, $0x7FC0;
	s26 =	sadd.s32 $0x40, s26;
	v6 =	vmul.f32 $5.120000000e+02, v0;
	v4 =	vmul.u32 $0x25795, v4  }
.Ltmp0:
0x29: {  	v0 =	vld [tilespmem:s28+$0x2000];
	v7 =	vmul.f32 $5.120000000e+02, v1;
	v3 =	vxor.u32 v3, v5;
	(pc) =	sbr.rel @p0 .LBB2_2-.Ltmp0, $4  }
0x2a: {  	v1 =	vld [tilespmem:s28+$0x4000];
	v5 =	vmul.f32 $5.120000000e+02, v2;
	v6 =	vtrunc.f32 v6;
	v3 =	vxor.u32 v4, v3  }
0x2b: {  	v2 =	vld [tilespmem:s28+$0x0];
	v6 =	vcvt.f32.s32 v6;
	v4 =	vtrunc.f32 v7;
	v3 =	vand.u32 $0x7FFFF, v3  }
0x2c: {  	v5 =	vtrunc.f32 v5;
	v4 =	vcvt.f32.s32 v4;
	[tilespmem:s24+$0x6000] =	vst v3;
	s24 =	smov.u32 s25;
	s25 =	smov.u32 s28  }
0x2d: {  	v3 =	vcvt.f32.s32 v5;
	v5 =	vmul.u32 $0x779B1, v6  }
0x2e: {  	v0 =	vmul.f32 $5.120000000e+02, v0  }
0x2f: {  	v1 =	vmul.f32 $5.120000000e+02, v1  }
0x30: {  	v2 =	vmul.f32 $5.120000000e+02, v2;
	v0 =	vtrunc.f32 v0  }
0x31: {  	v0 =	vcvt.f32.s32 v0;
	v1 =	vtrunc.f32 v1  }
0x32: {  	v2 =	vtrunc.f32 v2;
	v1 =	vcvt.f32.s32 v1  }
0x33: {  	v4 =	vmul.u32 $0x25795, v4;
	v2 =	vcvt.f32.s32 v2;
	v0 =	vmul.u32 $0x779B1, v0  }
0x34: {  	v3 =	vxor.u32 v3, v5;
	v1 =	vmul.u32 $0x25795, v1  }
0x35: {  	v3 =	vxor.u32 v4, v3;
	v0 =	vxor.u32 v2, v0  }
0x36: {  	v63 =	vand.u32 $0x7FFFF, v3;
	v0 =	vxor.u32 v1, v0  }
0x37: {  	[tilespmem:s24+$0x6000] =	vst v63;
	v0 =	vand.u32 $0x7FFFF, v0  }
0x38: {  	s31 =	simm.s32 $0x6000;
	[tilespmem:s25+$0x6000] =	vst v0  }
0x39: {  	[tilespmem:s13], [sflag:$0x2] =	stream.indirect.gather [hbm4b:s3+s12], $0x20, s31, s12, $0xb8;
	[tilespmem:$0x10000] =	vst v63  }
0x3a: {  	s25 =	simm.s32 $0x6080  }
0x3b: {  	[tilespmem:s14], [sflag:$0x2] =	stream.indirect.gather [hbm4b:s3+s12], $0x20, s25, s12, $0xb8;
	[tilespmem:$0x10000] =	vst v63  }
0x3c: {  	s26 =	simm.s32 $0x6100  }
0x3d: {  	[tilespmem:s15], [sflag:$0x2] =	stream.indirect.gather [hbm4b:s3+s12], $0x20, s26, s12, $0xb8;
	[tilespmem:$0x10000] =	vst v63  }
0x3e: {  	s30 =	simm.s32 $0x6180  }
0x3f: {  	[tilespmem:s16], [sflag:$0x2] =	stream.indirect.gather [hbm4b:s3+s12], $0x20, s30, s12, $0xb8;
	[tilespmem:$0x10000] =	vst v63  }
0x40: {  	s31 =	simm.s32 $0x6200  }
0x41: {  	[tilespmem:s17], [sflag:$0x2] =	stream.indirect.gather [hbm4b:s3+s12], $0x20, s31, s12, $0xb8;
	[tilespmem:$0x10000] =	vst v63  }
0x42: {  	s25 =	simm.s32 $0x6280  }
0x43: {  	[tilespmem:s18], [sflag:$0x2] =	stream.indirect.gather [hbm4b:s3+s12], $0x20, s25, s12, $0xb8;
	[tilespmem:$0x10000] =	vst v63  }
0x44: {  	s26 =	simm.s32 $0x6300  }
0x45: {  	[tilespmem:s19], [sflag:$0x2] =	stream.indirect.gather [hbm4b:s3+s12], $0x20, s26, s12, $0xb8;
	[tilespmem:$0x10000] =	vst v63  }
0x46: {  	s30 =	simm.s32 $0x6380  }
0x47: {  	[tilespmem:s20], [sflag:$0x2] =	stream.indirect.gather [hbm4b:s3+s12], $0x20, s30, s12, $0xb8;
	[tilespmem:$0x10000] =	vst v63  }
0x48: {  	_ =	swait.ge [sflag:s21], $0x1000  }
0x49: {  	[sflag:s21] =	ssyncset.done $0x0  }
0x4a: {  	[sflag:s21] =	ssyncadd.s32 $0xFFFFF000  }
0x4b: {  	_ =	swait.ge [sflag:s21], $0x1000  }
0x4c: {  	[sflag:s21] =	ssyncset.done $0x0  }
0x4d: {  	[sflag:s21] =	ssyncadd.s32 $0xFFFFF000  }
0x4e: {  	_ =	swait.ge [sflag:s21], $0x1000  }
0x4f: {  	[sflag:s21] =	ssyncset.done $0x0  }
0x50: {  	[sflag:s21] =	ssyncadd.s32 $0xFFFFF000  }
0x51: {  	_ =	swait.ge [sflag:s21], $0x1000  }
0x52: {  	[sflag:s21] =	ssyncset.done $0x0  }
0x53: {  	[sflag:s21] =	ssyncadd.s32 $0xFFFFF000  }
0x54: {  	_ =	swait.ge [sflag:s21], $0x1000  }
0x55: {  	[sflag:s21] =	ssyncset.done $0x0  }
0x56: {  	[sflag:s21] =	ssyncadd.s32 $0xFFFFF000  }
0x57: {  	_ =	swait.ge [sflag:s21], $0x1000  }
0x58: {  	[sflag:s21] =	ssyncset.done $0x0  }
0x59: {  	[sflag:s21] =	ssyncadd.s32 $0xFFFFF000  }
0x5a: {  	_ =	swait.ge [sflag:s21], $0x1000  }
0x5b: {  	[sflag:s21] =	ssyncset.done $0x0  }
0x5c: {  	[sflag:s21] =	ssyncadd.s32 $0xFFFFF000  }
0x5d: {  	_ =	swait.ge [sflag:s21], $0x1000  }
0x5e: {  	[sflag:s21] =	ssyncset.done $0x0  }
0x5f: {  	s31 =	sadd.s32 $0x0, s8;
	[sflag:s21] =	ssyncadd.s32 $0xFFFFF000  }
0x60: {  	[hbm4b:s31+s2] =	stream.linear.scatter [tilespmem:s13], [sflag:$0x3], $0x8000, $0x38;
	[tilespmem:$0x10000] =	vst v63  }
0x61: {  	s29 =	simm.s32 $0x2000;
	_ =	swait.ge [sflag:s22], $0x8000  }
0x62: {  	s28 =	simm.s32 $0x400;
	s24 =	simm.s32 $0x1000;
	[sflag:s22] =	ssyncset.done $0x0  }
.LBB2_4:
0x63: {  	s30 =	sadd.s32 $0x6000, s28  }
0x64: {  	[sflag:s22] =	ssyncadd.s32 $0xFFFF8000;
	s26 =	smov.u32 s29;
	s25 =	sadd.s32 $0x1000, s29  }
0x65: {  	[tilespmem:s13], [sflag:$0x2] =	stream.indirect.gather [hbm4b:s3+s12], $0x20, s30, s12, $0xb8;
	[tilespmem:$0x10000] =	vst v63  }
0x66: {  	p0 =	sne.s32 s29, $0x7000;
	s29 =	sadd.s32 $0x6080, s28  }
0x67: {  	[tilespmem:s14], [sflag:$0x2] =	stream.indirect.gather [hbm4b:s3+s12], $0x20, s29, s12, $0xb8;
	[tilespmem:$0x10000] =	vst v63  }
0x68: {  	s29 =	sadd.s32 $0x6100, s28  }
0x69: {  	[tilespmem:s15], [sflag:$0x2] =	stream.indirect.gather [hbm4b:s3+s12], $0x20, s29, s12, $0xb8;
	[tilespmem:$0x10000] =	vst v63  }
0x6a: {  	s29 =	sadd.s32 $0x6180, s28  }
0x6b: {  	[tilespmem:s16], [sflag:$0x2] =	stream.indirect.gather [hbm4b:s3+s12], $0x20, s29, s12, $0xb8;
	[tilespmem:$0x10000] =	vst v63  }
0x6c: {  	s29 =	sadd.s32 $0x6200, s28  }
0x6d: {  	[tilespmem:s17], [sflag:$0x2] =	stream.indirect.gather [hbm4b:s3+s12], $0x20, s29, s12, $0xb8;
	[tilespmem:$0x10000] =	vst v63  }
0x6e: {  	s29 =	sadd.s32 $0x6280, s28  }
0x6f: {  	[tilespmem:s18], [sflag:$0x2] =	stream.indirect.gather [hbm4b:s3+s12], $0x20, s29, s12, $0xb8;
	[tilespmem:$0x10000] =	vst v63  }
0x70: {  	s29 =	sadd.s32 $0x6300, s28  }
0x71: {  	[tilespmem:s19], [sflag:$0x2] =	stream.indirect.gather [hbm4b:s3+s12], $0x20, s29, s12, $0xb8;
	[tilespmem:$0x10000] =	vst v63  }
0x72: {  	s28 =	sadd.s32 $0x6380, s28  }
0x73: {  	[tilespmem:s20], [sflag:$0x2] =	stream.indirect.gather [hbm4b:s3+s12], $0x20, s28, s12, $0xb8;
	[tilespmem:$0x10000] =	vst v63  }
0x74: {  	_ =	swait.ge [sflag:s21], $0x1000  }
0x75: {  	[sflag:s21] =	ssyncset.done $0x0  }
0x76: {  	[sflag:s21] =	ssyncadd.s32 $0xFFFFF000  }
0x77: {  	_ =	swait.ge [sflag:s21], $0x1000  }
0x78: {  	[sflag:s21] =	ssyncset.done $0x0  }
0x79: {  	[sflag:s21] =	ssyncadd.s32 $0xFFFFF000  }
0x7a: {  	_ =	swait.ge [sflag:s21], $0x1000  }
0x7b: {  	[sflag:s21] =	ssyncset.done $0x0  }
0x7c: {  	[sflag:s21] =	ssyncadd.s32 $0xFFFFF000  }
0x7d: {  	_ =	swait.ge [sflag:s21], $0x1000  }
0x7e: {  	[sflag:s21] =	ssyncset.done $0x0  }
0x7f: {  	[sflag:s21] =	ssyncadd.s32 $0xFFFFF000  }
0x80: {  	_ =	swait.ge [sflag:s21], $0x1000  }
0x81: {  	[sflag:s21] =	ssyncset.done $0x0  }
0x82: {  	[sflag:s21] =	ssyncadd.s32 $0xFFFFF000  }
0x83: {  	_ =	swait.ge [sflag:s21], $0x1000  }
0x84: {  	[sflag:s21] =	ssyncset.done $0x0  }
0x85: {  	[sflag:s21] =	ssyncadd.s32 $0xFFFFF000  }
0x86: {  	_ =	swait.ge [sflag:s21], $0x1000  }
0x87: {  	[sflag:s21] =	ssyncset.done $0x0  }
0x88: {  	[sflag:s21] =	ssyncadd.s32 $0xFFFFF000  }
0x89: {  	_ =	swait.ge [sflag:s21], $0x1000  }
.Ltmp1:
0x8a: {  	[sflag:s21] =	ssyncset.done $0x0;
	(pc) =	sbr.rel @p0 .LBB2_4-.Ltmp1, $4  }
0x8b: {  	s28 =	sadd.s32 s24, s8;
	s24 =	smov.u32 s26;
	[sflag:s21] =	ssyncadd.s32 $0xFFFFF000  }
0x8c: {  	[hbm4b:s28+s2] =	stream.linear.scatter [tilespmem:s13], [sflag:$0x3], $0x8000, $0x38;
	[tilespmem:$0x10000] =	vst v63  }
0x8d: {  	_ =	swait.ge [sflag:s22], $0x8000  }
0x8e: {  	s29 =	smov.u32 s25;
	s28 =	sshra.s32 s24, $0x2;
	[sflag:s22] =	ssyncset.done $0x0  }
0x8f: {  	s25 =	sadd.s32 $0x6000, s28;
	[sflag:s22] =	ssyncadd.s32 $0xFFFF8000  }
0x90: {  	[tilespmem:s13], [sflag:$0x2] =	stream.indirect.gather [hbm4b:s3+s12], $0x20, s25, s12, $0xb8;
	[tilespmem:$0x10000] =	vst v63  }
0x91: {  	s29 =	sadd.s32 $0x6080, s28  }
0x92: {  	[tilespmem:s14], [sflag:$0x2] =	stream.indirect.gather [hbm4b:s3+s12], $0x20, s29, s12, $0xb8;
	[tilespmem:$0x10000] =	vst v63  }
0x93: {  	s30 =	sadd.s32 $0x6100, s28  }
0x94: {  	[tilespmem:s15], [sflag:$0x2] =	stream.indirect.gather [hbm4b:s3+s12], $0x20, s30, s12, $0xb8;
	[tilespmem:$0x10000] =	vst v63  }
0x95: {  	s31 =	sadd.s32 $0x6180, s28  }
0x96: {  	[tilespmem:s16], [sflag:$0x2] =	stream.indirect.gather [hbm4b:s3+s12], $0x20, s31, s12, $0xb8;
	[tilespmem:$0x10000] =	vst v63  }
0x97: {  	s26 =	sadd.s32 $0x6200, s28  }
0x98: {  	[tilespmem:s17], [sflag:$0x2] =	stream.indirect.gather [hbm4b:s3+s12], $0x20, s26, s12, $0xb8;
	[tilespmem:$0x10000] =	vst v63  }
0x99: {  	s29 =	sadd.s32 $0x6280, s28  }
0x9a: {  	[tilespmem:s18], [sflag:$0x2] =	stream.indirect.gather [hbm4b:s3+s12], $0x20, s29, s12, $0xb8;
	[tilespmem:$0x10000] =	vst v63  }
0x9b: {  	s30 =	sadd.s32 $0x6300, s28  }
0x9c: {  	[tilespmem:s19], [sflag:$0x2] =	stream.indirect.gather [hbm4b:s3+s12], $0x20, s30, s12, $0xb8;
	[tilespmem:$0x10000] =	vst v63  }
0x9d: {  	s31 =	sadd.s32 $0x6380, s28  }
0x9e: {  	[tilespmem:s20], [sflag:$0x2] =	stream.indirect.gather [hbm4b:s3+s12], $0x20, s31, s12, $0xb8;
	[tilespmem:$0x10000] =	vst v63  }
0x9f: {  	_ =	swait.ge [sflag:s21], $0x1000  }
0xa0: {  	[sflag:s21] =	ssyncset.done $0x0  }
0xa1: {  	[sflag:s21] =	ssyncadd.s32 $0xFFFFF000  }
0xa2: {  	_ =	swait.ge [sflag:s21], $0x1000  }
0xa3: {  	[sflag:s21] =	ssyncset.done $0x0  }
0xa4: {  	[sflag:s21] =	ssyncadd.s32 $0xFFFFF000  }
0xa5: {  	_ =	swait.ge [sflag:s21], $0x1000  }
0xa6: {  	[sflag:s21] =	ssyncset.done $0x0  }
0xa7: {  	[sflag:s21] =	ssyncadd.s32 $0xFFFFF000  }
0xa8: {  	_ =	swait.ge [sflag:s21], $0x1000  }
0xa9: {  	[sflag:s21] =	ssyncset.done $0x0  }
0xaa: {  	[sflag:s21] =	ssyncadd.s32 $0xFFFFF000  }
0xab: {  	_ =	swait.ge [sflag:s21], $0x1000  }
0xac: {  	[sflag:s21] =	ssyncset.done $0x0  }
0xad: {  	[sflag:s21] =	ssyncadd.s32 $0xFFFFF000  }
0xae: {  	_ =	swait.ge [sflag:s21], $0x1000  }
0xaf: {  	[sflag:s21] =	ssyncset.done $0x0  }
0xb0: {  	[sflag:s21] =	ssyncadd.s32 $0xFFFFF000  }
0xb1: {  	_ =	swait.ge [sflag:s21], $0x1000  }
0xb2: {  	[sflag:s21] =	ssyncset.done $0x0  }
0xb3: {  	[sflag:s21] =	ssyncadd.s32 $0xFFFFF000  }
0xb4: {  	s23 =	sadd.s32 $0x1, s23;
	_ =	swait.ge [sflag:s21], $0x1000  }
0xb5: {  	p0 =	sne.s32 s23, s7;
	[sflag:s21] =	ssyncset.done $0x0  }
.Ltmp2:
0xb6: {  	s24 =	sadd.s32 s24, s8;
	[sflag:s21] =	ssyncadd.s32 $0xFFFFF000;
	(pc) =	sbr.rel @p0 .LBB2_1-.Ltmp2, $4  }
0xb7: {  	[hbm4b:s24+s2] =	stream.linear.scatter [tilespmem:s13], [sflag:$0x3], $0x8000, $0x38;
	[tilespmem:$0x10000] =	vst v63  }
0xb8: {  	_ =	swait.ge [sflag:s22], $0x8000  }
0xb9: {  	[sflag:s22] =	ssyncset.done $0x0  }
0xba: {  	[sflag:s22] =	ssyncadd.s32 $0xFFFF8000  }
0xbb: {  	_ =	sfence.sel $0x180000  }
0xbc: {  	[bflag:$0x0] =	sbarrier.arrive $0xFFFF  }
0xbd: {  	p0 =	sne.s32 s1, $0x0;
	_ =	strace $0x9000004A  }
0xbe: {  	s0 =	sadd.s32 @!p0 $0x100000, s0;
	[bflag:$0x2] =	sbarrier.arrive $0xFFFF  }
0xbf: {  	[sflag:s0] =	ssyncadd.tile.s32 @!p0 $0x1;
	_ =	shalt  }
.Lfunc_end2:
_tile_overlayer_lowered:
.L_overlay_start_2:
0xc0: {  	(tag) =	ssettag $0x2  }
0xc1: {  	s0 =	rddreg [dreg:$0x0];
	s2 =	stileid.u32  }
0xc2: {  	s1 =	rddreg [dreg:$0x1];
	p0 =	sne.s32 s2, $0x0  }
0xc3: {  	s3 =	rddreg [dreg:$0x2];
	[bflag:$0x3] =	sbarrier.arrive $0xFFFF;
	s2 =	simm.s32 @!p0 $0x1C03  }
0xc4: {  	[timem:s3], [sflag:s2] =	dma.local @!p0 [hbm:s0], s1  }
0xc5: {  	s0 =	simm.s32 @!p0 $0x3  }
0xc6: {  	_ =	swait.ge @!p0 [sflag:s0], s1  }
0xc7: {  	s1 =	ssub.s32 @!p0 $0x0, s1;
	[sflag:s0] =	ssyncset.done @!p0 $0x0  }
0xc8: {  	[sflag:s0] =	ssyncadd.s32 @!p0 s1  }
0xc9: {  	[bflag:$0x3] =	sbarrier.arrive $0xFFFF  }
0xca: {  	_ =	shalt  }

// kernel: sparse-core-data-format-call.1.cloned.1.call-start
scs
called_computation.1_lowered:
.L_overlay_start_0:
0x0: {  	s1 =	sld [smem:$0x3FD9]  }
0x1: {  	s2 =	sld [smem:$0x3FFE];
	_ =	sdelay $0x1  }
0x2: {  	s3 =	srdreg.scid  }
0x3: {  	s0 =	sand.u32 $0x1, s3  }
0x4: {  	s17 =	sshll.u32 s0, $0xA;
	s1 =	sadd.s32 s2, s1  }
0x5: {  	s1 =	sadd.s32 s1, s17  }
0x6: {  	[smem:$0x3FC6] =	sst s1  }
0x7: {  	_ = 	snop  }
0x8: {  	(tm) =	ssettm $0x1  }
0x9: {  	s18 =	sld [smem:$0x3FFB];
	_ =	sdelay $0x3  }
0xa: {  	_ =	strace s18  }
0xb: {  	s1 =	sld [smem:$0x3FFC];
	_ =	sdelay $0x3  }
0xc: {  	_ =	strace s1  }
0xd: {  	s1 =	sld [smem:$0x3FFD];
	_ =	sdelay $0x3  }
0xe: {  	_ =	strace s1  }
0xf: {  	_ =	strace $0x8FFFFFFF  }
0x10: {  	s19 =	sld [smem:$0x3FDB];
	_ =	sdelay $0x1  }
0x11: {  	s20 =	simm.s32 $_scs_section_size  }
0x12: {  	s4 =	simm.s32 $_size__tile_overlayer_lowered;
	s5 =	simm.s32 $_tile_overlayer_lowered  }
0x13: {  	s23 =	simm.s32 $0x1BFF;
	s22 =	sshll.u32 s5, $0x1;
	s1 =	sadd.s32 s20, s19  }
0x14: {  	s6 =	simm.s32 $0x0;
	s21 =	sshll.u32 s4, $0x1;
	s4 =	sadd.s32 s22, s1  }
0x15: {  	[timem:s6], [sflag:s23] =	dma.local [hbm:s4], s21  }
0x16: {  	_ =	swait.ge [sflag:s23], s21  }
0x17: {  	s2 =	ssub.s32 $0x0, s21;
	[sflag:s23] =	ssyncset.done $0x0  }
0x18: {  	[sflag:s23] =	ssyncadd.s32 s2;
	_ =	sdelay $0x1  }
0x19: {  	s24 =	simm.s32 $0x1B8B  }
0x1a: {  	_ =	swait.ge [sflag:s24], $0x1  }
0x1b: {  	[sflag:s24] =	ssyncset.done $0x0  }
0x1c: {  	s26 =	simm.s32 $0x1B8E;
	s25 =	sld [smem:$0x3FFE];
	[sflag:s24] =	ssyncadd.s32 $0xFFFFFFFF  }
0x1d: {  	s27 =	simm.s32 $execute0_lowered;
	[smem:$0x3FD2] =	sst s26  }
0x1e: {  	s4 =	sshll.u32 s27, $0x1;
	_ =	strace $0x80000046;
	[dreg:$0x1] =	wrdreg $0xFFFFFFFF  }
0x1f: {  	s28 =	simm.s32 $_size_execute0_lowered;
	s1 =	sadd.s32 s1, s4;
	[dreg:$0x0] =	wrdreg $0x0  }
0x20: {  	s4 =	sshll.u32 s28, $0x1;
	[dreg:$0x2] =	wrdreg s1  }
0x21: {  	[dreg:$0x3] =	wrdreg s4  }
0x22: {  	[dreg:$0x4] =	wrdreg $0xC0  }
0x23: {  	_ =	task [dreg:s6], $0x5FFFF  }
0x24: {  	[dreg:$0x1] =	wrdreg $0xFFFFFFFF  }
0x25: {  	[dreg:$0x0] =	wrdreg $0x60  }
0x26: {  	[dreg:$0x2] =	wrdreg s25  }
0x27: {  	[dreg:$0x3] =	wrdreg $0x9  }
0x28: {  	_ =	task.clear_ibuf [dreg:s6], $0x4FFFF;
	_ =	strace $0x90000046  }
0x29: {  	s29 =	simm.s32 $0x9;
	_ =	strace $0x80000048  }
0x2a: {  	_ =	swait.ge [sflag:s29], $0x1  }
0x2b: {  	[sflag:s29] =	ssyncadd.s32 $0xFFFFFFFF  }
0x2c: {  	_ =	strace $0x90000048  }
0x2d: {  	_ =	sfence  }
0x2e: {  	s30 =	sld [smem:$0x0];
	_ =	sdelay $0x2  }
0x2f: {  	s31 =	sshll.u32 s3, $0xD;
	s3 =	sshrl.u32 s3, $0x2  }
0x30: {  	s2 =	sand.u32 $0x4000, s31;
	s1 =	sadd.s32 s3, s30  }
0x31: {  	s0 =	sor.u32 s2, s0;
	s1 =	sshll.u32 s1, $0x11  }
0x32: {  	s0 =	sor.u32 s1, s0  }
0x33: {  	s0 =	sadd.s32 $0x8F2B, s0  }
0x34: {  	[sflag:s0] =	ssyncadd.remote.s32 $0x1  }
0x35: {  	_ =	sfence.sel $0xFFFF  }
0x36: {  	[dreg:$0x0] =	wrdreg $0xFFFFFFFF;
	(pc) =	sbr.abs _section_cstart, $3  }
0x37: {  	[dreg:$0x1] =	wrdreg $0xFFFFFFFF  }
0x38: {  	_ =	task.clear_ibuf [dreg:s6], $0x2FFFF;
	_ =	strace $0x9FFFFFFF  }
0x39: {  	(tm) =	ssettm $0x7FFFFFFF  }
tec
execute0_lowered:
.L_overlay_start_1:
0x0: {  	(tag) =	ssettag $0x1  }
0x1: {  	s0 =	srdreg.scid  }
0x2: {  	s6 =	rddreg [dreg:$0x0];
	s7 =	simm.s32 $0x1;
	s1 =	sshll.u32 s0, $0x4  }
0x3: {  	s8 =	simm.s32 $0x2;
	s0 =	stileid.u32;
	s1 =	sand.u32 $0x10, s1  }
0x4: {  	s13 =	simm.s32 $0x0;
	s12 =	simm.s32 $0x0;
	s1 =	sor.u32 s0, s1  }
0x5: {  	s10 =	simm.s32 $0x0;
	s11 =	simm.s32 $0x0;
	s2 =	sshll.u32 s1, $0x9  }
0x6: {  	s3 =	sadd.s32 $0xE00, s6;
	s6 =	sadd.s32 $0x200E00, s6;
	s5 =	ssub.s32 $0x80000, s2  }
.Ltmp0:
0x7: {  	s1 =	rddreg [dreg:$0x1];
	s4 =	sand.u32 $0x3E00, s5;
	(pc) =	sbr.rel .LBB1_1-.Ltmp0, $4  }
0x8: {  	_ =	strace $0x80000047;
	s9 =	smov.u32 s2;
	p0 =	sne.s32 s4, $0x0  }
0x9: {  	s5 =	sshrl.u32 s5, $0xE;
	s4 =	simm.s32 $0x1;
	s7 =	simm.s32 @!p0 $0x0  }
0xa: {  	[sflag:s4] =	ssyncpa.u1 $0x0;
	p0 =	por $0x0, $0x0;
	s5 =	sadd.s32 s7, s5  }
0xb: {  	[sflag:s8] =	ssyncpa.u1 $0x0;
	s8 =	simm.s32 $0x80;
	s7 =	sadd.s32 $0x1, s5  }
.LBB1_4:
0xc: {  	_ = 	snop  }
0xd: {  	[tilespmem:s18+$0x2D60 ss:$0x21] =	vst.msk $0xffff, v7  }
0xe: {  	[tilespmem:s18+$0x2F70 ss:$0x21] =	vst.msk $0xffff, v6  }
0xf: {  	[tilespmem:s18+$0x3390 ss:$0x21] =	vst.msk $0xffff, v3  }
0x10: {  	s21 =	sor.u32 s24, s23;
	v31 =	vld.idx.msk [tilespmem:v0+s16+$0xC70 ss:$0x1], $0xffff;
	[tilespmem:s18+$0x35A0 ss:$0x21] =	vst.msk $0xffff, v1  }
0x11: {  	[tilespmem:s18+$0x37B0 ss:$0x21] =	vst.msk $0xffff, v2;
	v43 =	vld.idx.msk [tilespmem:v0+s21+$0x410 ss:$0x1], $0xffff  }
0x12: {  	[tilespmem:s18+$0x39C0 ss:$0x21] =	vst.msk $0xffff, v4;
	v44 =	vld.idx.msk [tilespmem:v0+s21+$0x420 ss:$0x1], $0xffff  }
0x13: {  	[tilespmem:s18+$0x3BD0 ss:$0x21] =	vst.msk $0xffff, v5;
	s22 =	sand.u32 $0x3200, s21;
	v45 =	vld.idx.msk [tilespmem:v0+s21+$0x430 ss:$0x1], $0xffff  }
0x14: {  	s20 =	sand.u32 $0x180, s20;
	s27 =	sshra.s32 s19, $0x2;
	[tilespmem:s18+$0x3DE0 ss:$0x21] =	vst.msk $0xffff, v8;
	v46 =	vld.idx.msk [tilespmem:v0+s21+$0x440 ss:$0x1], $0xffff;
	s15 =	sadd.s32 s22, s15  }
0x15: {  	v47 =	vld.idx.msk [tilespmem:v0+s21+$0x450 ss:$0x1], $0xffff;
	s26 =	sadd.s32 s20, s15;
	s15 =	sadd.s32 s27, s17;
	[tilespmem:s18+$0x3FF0 ss:$0x21] =	vst.msk $0xffff, v31  }
0x16: {  	v48 =	vld.idx.msk [tilespmem:v0+s21+$0x460 ss:$0x1], $0xffff;
	[tilespmem:s15+$0x1290 ss:$0x21] =	vst.msk $0xffff, v43  }
0x17: {  	v49 =	vld.idx.msk [tilespmem:v0+s21+$0x470 ss:$0x1], $0xffff;
	[tilespmem:s15+$0x14A0 ss:$0x21] =	vst.msk $0xffff, v44  }
0x18: {  	v50 =	vld.idx.msk [tilespmem:v0+s21+$0x810 ss:$0x1], $0xffff;
	[tilespmem:s15+$0x16B0 ss:$0x21] =	vst.msk $0xffff, v45  }
0x19: {  	v51 =	vld.idx.msk [tilespmem:v0+s21+$0x820 ss:$0x1], $0xffff;
	[tilespmem:s15+$0x18C0 ss:$0x21] =	vst.msk $0xffff, v46  }
0x1a: {  	v52 =	vld.idx.msk [tilespmem:v0+s21+$0x830 ss:$0x1], $0xffff;
	[tilespmem:s15+$0x1AD0 ss:$0x21] =	vst.msk $0xffff, v47  }
0x1b: {  	v53 =	vld.idx.msk [tilespmem:v0+s21+$0x840 ss:$0x1], $0xffff;
	[tilespmem:s15+$0x1CE0 ss:$0x21] =	vst.msk $0xffff, v48  }
0x1c: {  	v54 =	vld.idx.msk [tilespmem:v0+s21+$0x850 ss:$0x1], $0xffff;
	[tilespmem:s15+$0x1EF0 ss:$0x21] =	vst.msk $0xffff, v49  }
0x1d: {  	v55 =	vld.idx.msk [tilespmem:v0+s21+$0x860 ss:$0x1], $0xffff;
	[tilespmem:s15+$0x2310 ss:$0x21] =	vst.msk $0xffff, v50  }
0x1e: {  	v56 =	vld.idx.msk [tilespmem:v0+s21+$0x870 ss:$0x1], $0xffff;
	[tilespmem:s15+$0x2520 ss:$0x21] =	vst.msk $0xffff, v51  }
0x1f: {  	v57 =	vld.idx.msk [tilespmem:v0+s21+$0xC10 ss:$0x1], $0xffff;
	[tilespmem:s15+$0x2730 ss:$0x21] =	vst.msk $0xffff, v52  }
0x20: {  	v58 =	vld.idx.msk [tilespmem:v0+s21+$0xC20 ss:$0x1], $0xffff;
	[tilespmem:s15+$0x2940 ss:$0x21] =	vst.msk $0xffff, v53  }
0x21: {  	v59 =	vld.idx.msk [tilespmem:v0+s21+$0xC30 ss:$0x1], $0xffff;
	[tilespmem:s15+$0x2B50 ss:$0x21] =	vst.msk $0xffff, v54  }
0x22: {  	v60 =	vld.idx.msk [tilespmem:v0+s21+$0xC40 ss:$0x1], $0xffff;
	[tilespmem:s15+$0x2D60 ss:$0x21] =	vst.msk $0xffff, v55  }
0x23: {  	v61 =	vld.idx.msk [tilespmem:v0+s21+$0xC50 ss:$0x1], $0xffff;
	[tilespmem:s15+$0x2F70 ss:$0x21] =	vst.msk $0xffff, v56  }
0x24: {  	v62 =	vld.idx.msk [tilespmem:v0+s21+$0xC60 ss:$0x1], $0xffff;
	[tilespmem:s15+$0x3390 ss:$0x21] =	vst.msk $0xffff, v57  }
0x25: {  	v63 =	vld.idx.msk [tilespmem:v0+s21+$0xC70 ss:$0x1], $0xffff;
	[tilespmem:s15+$0x35A0 ss:$0x21] =	vst.msk $0xffff, v58  }
0x26: {  	v32 =	vld [tilespmem:s26+$0xC00];
	[tilespmem:s15+$0x37B0 ss:$0x21] =	vst.msk $0xffff, v59  }
0x27: {  	v33 =	vld [tilespmem:s26+$0x0];
	[tilespmem:s15+$0x39C0 ss:$0x21] =	vst.msk $0xffff, v60  }
0x28: {  	v34 =	vld [tilespmem:s26+$0x10];
	[tilespmem:s15+$0x3BD0 ss:$0x21] =	vst.msk $0xffff, v61  }
0x29: {  	v35 =	vld [tilespmem:s26+$0x20];
	[tilespmem:s15+$0x3DE0 ss:$0x21] =	vst.msk $0xffff, v62  }
0x2a: {  	v36 =	vld [tilespmem:s26+$0x30];
	[tilespmem:s15+$0x3FF0 ss:$0x21] =	vst.msk $0xffff, v63  }
0x2b: {  	v37 =	vld [tilespmem:s26+$0x40];
	[tilespmem:s15+$0x3180 ss:$0x21] =	vst.msk $0xffff, v32  }
0x2c: {  	v38 =	vld [tilespmem:s26+$0x50];
	[tilespmem:s15+$0x0 ss:$0x21] =	vst.msk $0xffff, v33  }
0x2d: {  	v39 =	vld [tilespmem:s26+$0x60];
	[tilespmem:s15+$0x210 ss:$0x21] =	vst.msk $0xffff, v34  }
0x2e: {  	v40 =	vld [tilespmem:s26+$0x70];
	[tilespmem:s15+$0x420 ss:$0x21] =	vst.msk $0xffff, v35  }
0x2f: {  	s13 =	sshll.u32 s13, $0x7;
	s28 =	sshll.u32 s12, $0x3;
	v41 =	vld [tilespmem:s26+$0x400];
	[tilespmem:s15+$0x630 ss:$0x21] =	vst.msk $0xffff, v36  }
0x30: {  	s29 =	sand.u32 $0x3FFFC00, s13;
	s16 =	sand.u32 $0x3FFFC00, s28;
	v42 =	vld [tilespmem:s26+$0x800];
	[tilespmem:s15+$0x840 ss:$0x21] =	vst.msk $0xffff, v37  }
0x31: {  	s13 =	sand.u32 $0x380, s13;
	s16 =	sadd.s32 s16, s29;
	[tilespmem:s15+$0xA50 ss:$0x21] =	vst.msk $0xffff, v38  }
0x32: {  	s30 =	sshrl.u32 s12, $0x3;
	s13 =	sor.u32 s13, s16;
	[tilespmem:s15+$0xC60 ss:$0x21] =	vst.msk $0xffff, v39  }
0x33: {  	s31 =	sand.u32 $0x7, s12;
	s16 =	sand.u32 $0xF, s30;
	s13 =	sshrl.u32 s13, $0x3;
	[tilespmem:s15+$0xE70 ss:$0x21] =	vst.msk $0xffff, v40  }
0x34: {  	s12 =	sshll.u32 s31, $0x12;
	s16 =	sadd.s32 s6, s16;
	s13 =	sand.u32 $0x7FFFF0, s13;
	[tilespmem:s15+$0x1080 ss:$0x21] =	vst.msk $0xffff, v41  }
0x35: {  	s12 =	sor.u32 $0x20, s12;
	s13 =	sadd.s32 s13, s16;
	[tilespmem:s15+$0x2100 ss:$0x21] =	vst.msk $0xffff, v42  }
0x36: {  	[hbm4b:s13+s12] =	stream.strided.scatter [tilespmem:s14], [sflag:$0x2], $0x4000, s8, s12, $0x10;
	[tilespmem:$0x10400] =	vst v63  }
.LBB1_5:
0x37: {  	s14 =	sadd.s32 $0x4000, s9  }
0x38: {  	s12 =	sadd.s32 $0x20, s10;
	s16 =	smov.u32 s10;
	p2 =	sgt.s32 s14, $0x7FFFF  }
0x39: {  	s16 =	smov.u32 @p2 s12  }
0x3a: {  	s14 =	smov.u32 @p2 s2;
	p2 =	sgt.s32 s16, $0x1F  }
0x3b: {  	s16 =	simm.s32 @p2 $0x0;
	p2 =	sne.s32 s11, s7  }
.Ltmp1:
0x3c: {  	p1 =	slt.u32 s11, $0x2;
	(pc) =	sbr.rel @!p2 .LBB1_6-.Ltmp1, $4  }
0x3d: {  	s15 =	simm.s32 @!p1 $0x2  }
0x3e: {  	s13 =	smov.u32 s9;
	p0 =	por !p0, !p0;
	_ =	swait.ge @!p1 [sflag:s15], $0x4000  }
0x3f: {  	s12 =	smov.u32 s10;
	[sflag:s15] =	ssyncset.done @!p1 $0x0;
	s9 =	smov.u32 s14  }
0x40: {  	s11 =	sadd.s32 $0x1, s11;
	[sflag:s15] =	ssyncadd.s32 @!p1 $0xFFFFC000;
	s10 =	smov.u32 s16  }
.LBB1_1:
0x41: {  	p1 =	sge.u32 s11, s5;
	s31 =	sadd.s32 $0xFFFFFFFF, s11  }
0x42: {  	s14 =	sand.u32 @!p1 $0x78, s9;
	s15 =	sshll.u32 @!p1 s10, $0x13;
	s16 =	sshll.u32 @!p1 s10, $0x7  }
0x43: {  	s17 =	sshll.u32 @!p1 s9, $0x3;
	s15 =	sand.u32 @!p1 $0xC00000, s15;
	s16 =	sand.u32 @!p1 $0x380, s16  }
0x44: {  	s15 =	sadd.s32 @!p1 s15, s17;
	s17 =	sand.u32 @!p1 $0x7FC00, s17;
	s14 =	sor.u32 @!p1 s16, s14  }
0x45: {  	s16 =	sxor.u32 @!p1 $0xFFFFFFFF, s11;
	s15 =	sand.u32 @!p1 $0xF80000, s15;
	s14 =	sor.u32 @!p1 s17, s14  }
0x46: {  	s16 =	sshll.u32 @!p1 s16, $0xE;
	s14 =	sor.u32 @!p1 s15, s14;
	s15 =	sand.u32 @!p1 $0x7, s9  }
0x47: {  	s17 =	simm.s32 @!p1 $0x400000;
	s14 =	sshrl.u32 @!p1 s14, $0x3;
	s15 =	sshll.u32 @!p1 s15, $0x12  }
0x48: {  	s16 =	sand.u32 @!p1 $0x4000, s16;
	s14 =	sadd.s32 @!p1 s3, s14;
	s15 =	sor.u32 @!p1 $0x1000, s15  }
0x49: {  	[tilespmem:s16], [sflag:$0x1] =	stream.strided.gather @!p1 [hbm4b:s14+s15], $0x4000, s17, s15, $0x38;
	[tilespmem:$0x10400] =	vst v63  }
0x4a: {  	p1 =	sge.u32 s31, s5  }
.Ltmp2:
0x4b: {  	_ = 	snop;
	(pc) =	sbr.rel @p1 .LBB1_5-.Ltmp2, $1  }
0x4c: {  	_ =	sdelay $0x3  }
0x4d: {  	s17 =	simm.s32 $0x0  }
0x4e: {  	s16 =	sand.u32 $0x3000, s17;
	s18 =	sand.u32 $0x380, s17  }
0x4f: {  	s14 =	sand.u32 $0x1, s11;
	s16 =	sor.u32 s18, s16  }
0x50: {  	_ =	swait.ge [sflag:s4], $0x4000;
	s15 =	sshll.u32 s14, $0xE;
	s18 =	sand.u32 $0x3200, s16  }
0x51: {  	[sflag:s4] =	ssyncset.done $0x0;
	s17 =	sand.u32 $0x180, s17;
	s18 =	sadd.s32 s18, s15  }
0x52: {  	[sflag:s4] =	ssyncadd.s32 $0xFFFFC000;
	s20 =	sadd.s32 s17, s18  }
0x53: {  	v4 =	vld [tilespmem:s20+$0xC00]  }
0x54: {  	s19 =	simm.s32 $0x1;
	v0 =	vmov s15;
	v5 =	vld [tilespmem:s20+$0x0]  }
0x55: {  	s19 =	simm.s32 @!p0 $0x0;
	v6 =	vld [tilespmem:s20+$0x10]  }
0x56: {  	s31 =	smul.u32 $0x10800, s19;
	v7 =	vld [tilespmem:s20+$0x20]  }
0x57: {  	v8 =	vld [tilespmem:s20+$0x30]  }
0x58: {  	s17 =	sshrl.u32 s31, $0x2;
	v9 =	vld [tilespmem:s20+$0x40]  }
0x59: {  	s17 =	sor.u32 $0x8000, s17;
	v1 =	vld.idx.msk [tilespmem:v0+s16+$0x410 ss:$0x1], $0xffff  }
0x5a: {  	v2 =	vld.idx.msk [tilespmem:v0+s16+$0x420 ss:$0x1], $0xffff;
	s18 =	sadd.s32 $0x0, s17  }
0x5b: {  	v3 =	vld.idx.msk [tilespmem:v0+s16+$0x430 ss:$0x1], $0xffff;
	[tilespmem:s18+$0x3180 ss:$0x21] =	vst.msk $0xffff, v4  }
0x5c: {  	v10 =	vld.idx.msk [tilespmem:v0+s16+$0x820 ss:$0x1], $0xffff;
	[tilespmem:s18+$0x0 ss:$0x21] =	vst.msk $0xffff, v5  }
0x5d: {  	v11 =	vld.idx.msk [tilespmem:v0+s16+$0x830 ss:$0x1], $0xffff;
	[tilespmem:s18+$0x210 ss:$0x21] =	vst.msk $0xffff, v6  }
0x5e: {  	v12 =	vld.idx.msk [tilespmem:v0+s16+$0x840 ss:$0x1], $0xffff;
	[tilespmem:s18+$0x420 ss:$0x21] =	vst.msk $0xffff, v7  }
0x5f: {  	v13 =	vld.idx.msk [tilespmem:v0+s16+$0x850 ss:$0x1], $0xffff;
	[tilespmem:s18+$0x630 ss:$0x21] =	vst.msk $0xffff, v8  }
0x60: {  	v4 =	vld [tilespmem:s20+$0x50];
	[tilespmem:s18+$0x840 ss:$0x21] =	vst.msk $0xffff, v9  }
0x61: {  	v5 =	vld [tilespmem:s20+$0x60];
	[tilespmem:s18+$0x1290 ss:$0x21] =	vst.msk $0xffff, v1  }
0x62: {  	v6 =	vld [tilespmem:s20+$0x70];
	[tilespmem:s18+$0x14A0 ss:$0x21] =	vst.msk $0xffff, v2  }
0x63: {  	v7 =	vld [tilespmem:s20+$0x400];
	[tilespmem:s18+$0x16B0 ss:$0x21] =	vst.msk $0xffff, v3  }
0x64: {  	v8 =	vld [tilespmem:s20+$0x800];
	[tilespmem:s18+$0x2520 ss:$0x21] =	vst.msk $0xffff, v10  }
0x65: {  	v9 =	vld.idx.msk [tilespmem:v0+s16+$0x470 ss:$0x1], $0xffff;
	[tilespmem:s18+$0x2730 ss:$0x21] =	vst.msk $0xffff, v11  }
0x66: {  	v3 =	vld.idx.msk [tilespmem:v0+s16+$0xC10 ss:$0x1], $0xffff;
	[tilespmem:s18+$0x2940 ss:$0x21] =	vst.msk $0xffff, v12  }
0x67: {  	v1 =	vld.idx.msk [tilespmem:v0+s16+$0xC20 ss:$0x1], $0xffff;
	[tilespmem:s18+$0x2B50 ss:$0x21] =	vst.msk $0xffff, v13  }
0x68: {  	v2 =	vld.idx.msk [tilespmem:v0+s16+$0xC30 ss:$0x1], $0xffff;
	[tilespmem:s18+$0xA50 ss:$0x21] =	vst.msk $0xffff, v4  }
0x69: {  	[tilespmem:s18+$0xE70 ss:$0x21] =	vst.msk $0xffff, v6;
	v6 =	vld.idx.msk [tilespmem:v0+s16+$0x460 ss:$0x1], $0xffff  }
0x6a: {  	v4 =	vld.idx.msk [tilespmem:v0+s16+$0x440 ss:$0x1], $0xffff;
	[tilespmem:s18+$0xC60 ss:$0x21] =	vst.msk $0xffff, v5  }
0x6b: {  	v5 =	vld.idx.msk [tilespmem:v0+s16+$0x450 ss:$0x1], $0xffff;
	[tilespmem:s18+$0x1080 ss:$0x21] =	vst.msk $0xffff, v7  }
0x6c: {  	[tilespmem:s18+$0x2100 ss:$0x21] =	vst.msk $0xffff, v8;
	v8 =	vld.idx.msk [tilespmem:v0+s16+$0x810 ss:$0x1], $0xffff  }
0x6d: {  	v7 =	vld.idx.msk [tilespmem:v0+s16+$0x860 ss:$0x1], $0xffff;
	[tilespmem:s18+$0x1EF0 ss:$0x21] =	vst.msk $0xffff, v9  }
0x6e: {  	s14 =	smul.u32 $0x10800, s14;
	[tilespmem:s18+$0x1CE0 ss:$0x21] =	vst.msk $0xffff, v6;
	v6 =	vld.idx.msk [tilespmem:v0+s16+$0x870 ss:$0x1], $0xffff  }
0x6f: {  	s21 =	simm.s32 $0x200;
	s22 =	simm.s32 $0x8;
	[tilespmem:s18+$0x18C0 ss:$0x21] =	vst.msk $0xffff, v4;
	v4 =	vld.idx.msk [tilespmem:v0+s16+$0xC40 ss:$0x1], $0xffff  }
0x70: {  	s23 =	sand.u32 $0x3000, s21;
	s14 =	sshrl.u32 s14, $0x2;
	s20 =	simm.s32 $0x80;
	[tilespmem:s18+$0x1AD0 ss:$0x21] =	vst.msk $0xffff, v5;
	v5 =	vld.idx.msk [tilespmem:v0+s16+$0xC50 ss:$0x1], $0xffff  }
0x71: {  	s19 =	simm.s32 $0x4;
	s14 =	sor.u32 $0x8000, s14;
	s24 =	sand.u32 $0x380, s20;
	[tilespmem:s18+$0x2310 ss:$0x21] =	vst.msk $0xffff, v8;
	v8 =	vld.idx.msk [tilespmem:v0+s16+$0xC60 ss:$0x1], $0xffff  }
.LBB1_3:
0x72: {  	p1 =	sne.s32 s22, $0x7C;
	[tilespmem:s18+$0x2D60 ss:$0x21] =	vst.msk $0xffff, v7;
	v7 =	vld.idx.msk [tilespmem:v0+s16+$0xC70 ss:$0x1], $0xffff;
	s16 =	sor.u32 s24, s23  }
0x73: {  	s23 =	sand.u32 $0x3200, s16;
	v9 =	vld.idx.msk [tilespmem:v0+s16+$0x410 ss:$0x1], $0xffff;
	[tilespmem:s18+$0x2F70 ss:$0x21] =	vst.msk $0xffff, v6  }
0x74: {  	s24 =	sand.u32 $0x180, s20;
	s23 =	sadd.s32 s23, s15;
	v6 =	vld.idx.msk [tilespmem:v0+s16+$0x420 ss:$0x1], $0xffff;
	[tilespmem:s18+$0x3390 ss:$0x21] =	vst.msk $0xffff, v3  }
0x75: {  	s23 =	sadd.s32 s24, s23;
	v3 =	vld.idx.msk [tilespmem:v0+s16+$0x430 ss:$0x1], $0xffff;
	[tilespmem:s18+$0x35A0 ss:$0x21] =	vst.msk $0xffff, v1  }
0x76: {  	v1 =	vld [tilespmem:s23+$0xC00];
	[tilespmem:s18+$0x37B0 ss:$0x21] =	vst.msk $0xffff, v2  }
0x77: {  	v2 =	vld [tilespmem:s23+$0x0];
	[tilespmem:s18+$0x39C0 ss:$0x21] =	vst.msk $0xffff, v4  }
0x78: {  	v4 =	vld [tilespmem:s23+$0x10];
	[tilespmem:s18+$0x3BD0 ss:$0x21] =	vst.msk $0xffff, v5  }
0x79: {  	s24 =	sshra.s32 s19, $0x2;
	s19 =	smov.u32 s22;
	v5 =	vld [tilespmem:s23+$0x20];
	[tilespmem:s18+$0x3DE0 ss:$0x21] =	vst.msk $0xffff, v8  }
0x7a: {  	v8 =	vld [tilespmem:s23+$0x30];
	[tilespmem:s18+$0x3FF0 ss:$0x21] =	vst.msk $0xffff, v7;
	s18 =	sadd.s32 s24, s17  }
0x7b: {  	v7 =	vld [tilespmem:s23+$0x40];
	[tilespmem:s18+$0x3180 ss:$0x21] =	vst.msk $0xffff, v1  }
0x7c: {  	[tilespmem:s18+$0x0 ss:$0x21] =	vst.msk $0xffff, v2;
	v1 =	vld [tilespmem:s23+$0x50]  }
0x7d: {  	[tilespmem:s18+$0x210 ss:$0x21] =	vst.msk $0xffff, v4;
	v2 =	vld [tilespmem:s23+$0x60]  }
0x7e: {  	[tilespmem:s18+$0x420 ss:$0x21] =	vst.msk $0xffff, v5;
	v4 =	vld [tilespmem:s23+$0x70]  }
0x7f: {  	[tilespmem:s18+$0x630 ss:$0x21] =	vst.msk $0xffff, v8;
	v5 =	vld [tilespmem:s23+$0x400]  }
0x80: {  	[tilespmem:s18+$0x840 ss:$0x21] =	vst.msk $0xffff, v7;
	v7 =	vld [tilespmem:s23+$0x800]  }
0x81: {  	[tilespmem:s18+$0xA50 ss:$0x21] =	vst.msk $0xffff, v1;
	v1 =	vld.idx.msk [tilespmem:v0+s16+$0x440 ss:$0x1], $0xffff  }
0x82: {  	[tilespmem:s18+$0xC60 ss:$0x21] =	vst.msk $0xffff, v2;
	v2 =	vld.idx.msk [tilespmem:v0+s16+$0x450 ss:$0x1], $0xffff  }
0x83: {  	[tilespmem:s18+$0xE70 ss:$0x21] =	vst.msk $0xffff, v4;
	v4 =	vld.idx.msk [tilespmem:v0+s16+$0x460 ss:$0x1], $0xffff  }
0x84: {  	[tilespmem:s18+$0x1080 ss:$0x21] =	vst.msk $0xffff, v5;
	v5 =	vld.idx.msk [tilespmem:v0+s16+$0x470 ss:$0x1], $0xffff  }
0x85: {  	[tilespmem:s18+$0x2100 ss:$0x21] =	vst.msk $0xffff, v7;
	v8 =	vld.idx.msk [tilespmem:v0+s16+$0x810 ss:$0x1], $0xffff  }
0x86: {  	[tilespmem:s18+$0x1290 ss:$0x21] =	vst.msk $0xffff, v9;
	v9 =	vld.idx.msk [tilespmem:v0+s16+$0x820 ss:$0x1], $0xffff  }
0x87: {  	[tilespmem:s18+$0x14A0 ss:$0x21] =	vst.msk $0xffff, v6;
	v10 =	vld.idx.msk [tilespmem:v0+s16+$0x830 ss:$0x1], $0xffff  }
0x88: {  	[tilespmem:s18+$0x16B0 ss:$0x21] =	vst.msk $0xffff, v3;
	v11 =	vld.idx.msk [tilespmem:v0+s16+$0x840 ss:$0x1], $0xffff  }
0x89: {  	[tilespmem:s18+$0x18C0 ss:$0x21] =	vst.msk $0xffff, v1;
	v12 =	vld.idx.msk [tilespmem:v0+s16+$0x850 ss:$0x1], $0xffff  }
0x8a: {  	[tilespmem:s18+$0x1AD0 ss:$0x21] =	vst.msk $0xffff, v2;
	v7 =	vld.idx.msk [tilespmem:v0+s16+$0x860 ss:$0x1], $0xffff  }
0x8b: {  	[tilespmem:s18+$0x1CE0 ss:$0x21] =	vst.msk $0xffff, v4;
	v6 =	vld.idx.msk [tilespmem:v0+s16+$0x870 ss:$0x1], $0xffff  }
0x8c: {  	[tilespmem:s18+$0x1EF0 ss:$0x21] =	vst.msk $0xffff, v5;
	v3 =	vld.idx.msk [tilespmem:v0+s16+$0xC10 ss:$0x1], $0xffff  }
.Ltmp3:
0x8d: {  	[tilespmem:s18+$0x2310 ss:$0x21] =	vst.msk $0xffff, v8;
	v1 =	vld.idx.msk [tilespmem:v0+s16+$0xC20 ss:$0x1], $0xffff;
	(pc) =	sbr.rel @p1 .LBB1_3-.Ltmp3, $4  }
0x8e: {  	[tilespmem:s18+$0x2520 ss:$0x21] =	vst.msk $0xffff, v9;
	v2 =	vld.idx.msk [tilespmem:v0+s16+$0xC30 ss:$0x1], $0xffff  }
0x8f: {  	[tilespmem:s18+$0x2730 ss:$0x21] =	vst.msk $0xffff, v10;
	v4 =	vld.idx.msk [tilespmem:v0+s16+$0xC40 ss:$0x1], $0xffff  }
0x90: {  	s20 =	sadd.s32 $0x80, s20;
	s21 =	sadd.s32 $0x200, s21;
	[tilespmem:s18+$0x2940 ss:$0x21] =	vst.msk $0xffff, v11;
	v5 =	vld.idx.msk [tilespmem:v0+s16+$0xC50 ss:$0x1], $0xffff  }
0x91: {  	s22 =	sadd.s32 $0x4, s22;
	s24 =	sand.u32 $0x380, s20;
	s23 =	sand.u32 $0x3000, s21;
	[tilespmem:s18+$0x2B50 ss:$0x21] =	vst.msk $0xffff, v12;
	v8 =	vld.idx.msk [tilespmem:v0+s16+$0xC60 ss:$0x1], $0xffff  }
.Ltmp4:
0x92: {  	_ = 	snop;
	(pc) =	sbr.rel .LBB1_4-.Ltmp4, $1  }
0x93: {  	_ =	sdelay $0x3  }
.LBB1_6:
0x94: {  	_ =	sfence.sel $0x180000  }
0x95: {  	s2 =	simm.s32 $0x1;
	[bflag:$0x0] =	sbarrier.arrive $0xFFFF  }
0x96: {  	s31 =	simm.s32 $0x2;
	[sflag:s2] =	ssyncpa.u1 $0x1  }
0x97: {  	[sflag:s31] =	ssyncpa.u1 $0x1  }
0x98: {  	p0 =	sne.s32 s0, $0x0;
	_ =	strace $0x90000047  }
0x99: {  	s0 =	sadd.s32 @!p0 $0x100000, s1;
	[bflag:$0x2] =	sbarrier.arrive $0xFFFF  }
0x9a: {  	[sflag:s0] =	ssyncadd.tile.s32 @!p0 $0x1;
	_ =	shalt  }
.Lfunc_end1:
_tile_overlayer_lowered:
.L_overlay_start_2:
0x9b: {  	(tag) =	ssettag $0x2  }
0x9c: {  	s0 =	rddreg [dreg:$0x0];
	s2 =	stileid.u32  }
0x9d: {  	s1 =	rddreg [dreg:$0x1];
	p0 =	sne.s32 s2, $0x0  }
0x9e: {  	s3 =	rddreg [dreg:$0x2];
	[bflag:$0x3] =	sbarrier.arrive $0xFFFF;
	s2 =	simm.s32 @!p0 $0x1C01  }
0x9f: {  	[timem:s3], [sflag:s2] =	dma.local @!p0 [hbm:s0], s1  }
0xa0: {  	s0 =	simm.s32 @!p0 $0x1  }
0xa1: {  	_ =	swait.ge @!p0 [sflag:s0], s1  }
0xa2: {  	s1 =	ssub.s32 @!p0 $0x0, s1;
	[sflag:s0] =	ssyncset.done @!p0 $0x0  }
0xa3: {  	[sflag:s0] =	ssyncadd.s32 @!p0 s1  }
0xa4: {  	[bflag:$0x3] =	sbarrier.arrive $0xFFFF  }
0xa5: {  	_ =	shalt  }

// kernel: sparse-core-data-format-call.cloned.1.call-start
scs
called_computation_lowered:
.L_overlay_start_0:
0x0: {  	s2 =	sld [smem:$0x3FD9]  }
0x1: {  	s3 =	sld [smem:$0x3FFE];
	_ =	sdelay $0x1  }
0x2: {  	s1 =	srdreg.scid  }
0x3: {  	s0 =	sand.u32 $0x1, s1  }
0x4: {  	s18 =	sshll.u32 s0, $0xA;
	s2 =	sadd.s32 s3, s2  }
0x5: {  	s2 =	sadd.s32 s2, s18  }
0x6: {  	[smem:$0x3FC6] =	sst s2  }
0x7: {  	_ = 	snop  }
0x8: {  	s2 =	sld [smem:$0x3FD0];
	(tm) =	ssettm $0x1  }
0x9: {  	s19 =	sld [smem:$0x3FFB];
	_ =	sdelay $0x3  }
0xa: {  	_ =	strace s19  }
0xb: {  	s3 =	sld [smem:$0x3FFC];
	_ =	sdelay $0x3  }
0xc: {  	_ =	strace s3  }
0xd: {  	s3 =	sld [smem:$0x3FFD];
	_ =	sdelay $0x3  }
0xe: {  	_ =	strace s3  }
0xf: {  	_ =	strace $0x8FFFFFFF  }
0x10: {  	s20 =	sld [smem:$0x3FDB];
	_ =	sdelay $0x1  }
0x11: {  	s4 =	simm.s32 $_scs_section_size  }
0x12: {  	s5 =	simm.s32 $_size__tile_overlayer_lowered;
	s6 =	simm.s32 $_tile_overlayer_lowered  }
0x13: {  	s23 =	simm.s32 $0x1BFF;
	s22 =	sshll.u32 s6, $0x1;
	s3 =	sadd.s32 s4, s20  }
0x14: {  	s7 =	simm.s32 $0x0;
	s21 =	sshll.u32 s5, $0x1;
	s5 =	sadd.s32 s22, s3  }
0x15: {  	[timem:s7], [sflag:s23] =	dma.local [hbm:s5], s21  }
0x16: {  	_ =	swait.ge [sflag:s23], s21  }
0x17: {  	s4 =	ssub.s32 $0x0, s21;
	[sflag:s23] =	ssyncset.done $0x0  }
0x18: {  	[sflag:s23] =	ssyncadd.s32 s4;
	_ =	sdelay $0x1  }
0x19: {  	s24 =	simm.s32 $0x1B8B  }
0x1a: {  	_ =	swait.ge [sflag:s24], $0x1  }
0x1b: {  	[sflag:s24] =	ssyncset.done $0x0  }
0x1c: {  	s26 =	simm.s32 $0x1B8E;
	s25 =	sld [smem:$0x3FFE];
	[sflag:s24] =	ssyncadd.s32 $0xFFFFFFFF  }
0x1d: {  	s27 =	simm.s32 $execute0_lowered;
	[smem:$0x3FD2] =	sst s26  }
0x1e: {  	s5 =	sshll.u32 s27, $0x1;
	_ =	strace $0x8000004C;
	[dreg:$0x1] =	wrdreg $0xFFFFFFFF  }
0x1f: {  	s28 =	simm.s32 $_size_execute0_lowered;
	s3 =	sadd.s32 s3, s5;
	[dreg:$0x0] =	wrdreg $0x0  }
0x20: {  	s5 =	sshll.u32 s28, $0x1;
	[dreg:$0x2] =	wrdreg s3  }
0x21: {  	[dreg:$0x3] =	wrdreg s5  }
0x22: {  	[dreg:$0x4] =	wrdreg $0xC0  }
0x23: {  	_ =	task [dreg:s7], $0x5FFFF  }
0x24: {  	[dreg:$0x1] =	wrdreg $0xFFFFFFFF  }
0x25: {  	[dreg:$0x0] =	wrdreg $0x60  }
0x26: {  	[dreg:$0x2] =	wrdreg s25  }
0x27: {  	[dreg:$0x3] =	wrdreg s2  }
0x28: {  	[dreg:$0x4] =	wrdreg $0x9  }
0x29: {  	_ =	task.clear_ibuf [dreg:s7], $0x5FFFF;
	_ =	strace $0x9000004C  }
0x2a: {  	s29 =	simm.s32 $0x9;
	_ =	strace $0x8000004E  }
0x2b: {  	_ =	swait.ge [sflag:s29], $0x1  }
0x2c: {  	[sflag:s29] =	ssyncadd.s32 $0xFFFFFFFF  }
0x2d: {  	_ =	strace $0x9000004E  }
0x2e: {  	_ =	sfence  }
0x2f: {  	s30 =	sld [smem:$0x0];
	_ =	sdelay $0x2  }
0x30: {  	s31 =	sshll.u32 s1, $0xD;
	s1 =	sshrl.u32 s1, $0x2  }
0x31: {  	s3 =	sand.u32 $0x4000, s31;
	s1 =	sadd.s32 s1, s30  }
0x32: {  	s0 =	sor.u32 s3, s0;
	s1 =	sshll.u32 s1, $0x11  }
0x33: {  	s0 =	sor.u32 s1, s0  }
0x34: {  	s0 =	sadd.s32 $0x8F2B, s0  }
0x35: {  	[sflag:s0] =	ssyncadd.remote.s32 $0x1  }
0x36: {  	_ =	sfence.sel $0xFFFF  }
0x37: {  	[dreg:$0x0] =	wrdreg $0xFFFFFFFF;
	(pc) =	sbr.abs _section_cstart, $3  }
0x38: {  	[dreg:$0x1] =	wrdreg $0xFFFFFFFF  }
0x39: {  	_ =	task.clear_ibuf [dreg:s7], $0x2FFFF;
	_ =	strace $0x9FFFFFFF  }
0x3a: {  	(tm) =	ssettm $0x7FFFFFFF  }
0x3b: {  	_ =	shalt  }
tec
execute0_lowered:
.L_overlay_start_1:
0x0: {  	(tag) =	ssettag $0x1  }
0x1: {  	s0 =	srdreg.scid  }
0x2: {  	s1 =	sshll.u32 s0, $0x4  }
0x3: {  	s4 =	rddreg [dreg:$0x0];
	s0 =	stileid.u32;
	s1 =	sand.u32 $0x10, s1  }
0x4: {  	s2 =	rddreg [dreg:$0x1];
	s7 =	simm.s32 $0x1;
	s1 =	sor.u32 s0, s1  }
0x5: {  	s8 =	simm.s32 $0x2;
	s11 =	simm.s32 $0x0;
	s3 =	sshll.u32 s1, $0x7  }
0x6: {  	s10 =	simm.s32 $0x0;
	s4 =	sadd.s32 $0xE00, s4;
	s6 =	ssub.s32 $0x40000, s3  }
.Ltmp0:
0x7: {  	s1 =	rddreg [dreg:$0x2];
	s5 =	sand.u32 $0xF80, s6;
	(pc) =	sbr.rel .LBB1_1-.Ltmp0, $4  }
0x8: {  	_ =	strace $0x8000004D;
	s9 =	smov.u32 s3;
	p0 =	sne.s32 s5, $0x0  }
0x9: {  	s6 =	sshrl.u32 s6, $0xC;
	s5 =	simm.s32 $0x1;
	s7 =	simm.s32 @!p0 $0x0  }
0xa: {  	[sflag:s5] =	ssyncpa.u1 $0x0;
	p0 =	por $0x0, $0x0;
	s6 =	sadd.s32 s7, s6  }
0xb: {  	[sflag:s8] =	ssyncpa.u1 $0x0;
	s8 =	simm.s32 $0x200000;
	s7 =	sadd.s32 $0x1, s6  }
.LBB1_4:
0xc: {  	s13 =	sshll.u32 s11, $0x3  }
0xd: {  	s15 =	sand.u32 $0x78, s11;
	s13 =	sand.u32 $0x3FC00, s13  }
0xe: {  	s30 =	sand.u32 $0xF8000, s11;
	s31 =	sand.u32 $0x7, s11;
	s13 =	sor.u32 s15, s13  }
0xf: {  	s11 =	sshll.u32 s31, $0x12;
	s15 =	sadd.s32 s2, s30;
	s13 =	sshrl.u32 s13, $0x3  }
0x10: {  	[tilespmem:s14+$0x0 ss:$0x81] =	vst.msk $0xffff, v0;
	s11 =	sor.u32 $0x400, s11;
	s13 =	sadd.s32 s13, s15  }
0x11: {  	[hbm4b:s13+s11] =	stream.strided.scatter [tilespmem:s12], [sflag:$0x2], $0x1000, s8, s11, $0x20;
	[tilespmem:$0x4040] =	vst v63  }
.LBB1_5:
0x12: {  	s13 =	sadd.s32 $0x1000, s9  }
0x13: {  	p2 =	sgt.s32 s13, $0x3FFFF  }
0x14: {  	s13 =	smov.u32 @p2 s3;
	p2 =	sne.s32 s10, s7  }
.Ltmp1:
0x15: {  	p1 =	slt.u32 s10, $0x2;
	(pc) =	sbr.rel @!p2 .LBB1_6-.Ltmp1, $4  }
0x16: {  	s12 =	simm.s32 @!p1 $0x2  }
0x17: {  	s14 =	sadd.s32 $0x1, s10;
	_ =	swait.ge @!p1 [sflag:s12], $0x1000  }
0x18: {  	s11 =	smov.u32 s9;
	p0 =	por !p0, !p0;
	[sflag:s12] =	ssyncset.done @!p1 $0x0  }
0x19: {  	s10 =	smov.u32 s14;
	s9 =	smov.u32 s13;
	[sflag:s12] =	ssyncadd.s32 @!p1 $0xFFFFF000  }
.LBB1_1:
0x1a: {  	p1 =	sge.u32 s10, s6  }
0x1b: {  	s31 =	sadd.s32 $0xFFFFFFFF, s10;
	s12 =	sxor.u32 @!p1 $0xFFFFFFFF, s10;
	s13 =	sshll.u32 @!p1 s9, $0x4  }
0x1c: {  	s14 =	simm.s32 @!p1 $0x20;
	s12 =	sshll.u32 @!p1 s12, $0xC;
	s13 =	sand.u32 @!p1 $0x3FFFF0, s13  }
0x1d: {  	s15 =	simm.s32 @!p1 $0x80;
	s12 =	sand.u32 @!p1 $0x1000, s12;
	s13 =	sadd.s32 @!p1 s4, s13  }
0x1e: {  	[tilespmem:s12], [sflag:$0x1] =	stream.strided.gather @!p1 [hbm4b:s13+s14], $0x1000, s15, s14, $0x38;
	[tilespmem:$0x4040] =	vst v63  }
0x1f: {  	p1 =	sge.u32 s31, s6  }
.Ltmp2:
0x20: {  	_ = 	snop;
	(pc) =	sbr.rel @p1 .LBB1_5-.Ltmp2, $1  }
0x21: {  	_ =	sdelay $0x3  }
0x22: {  	s12 =	simm.s32 $0x1  }
0x23: {  	_ =	swait.ge [sflag:s5], $0x1000;
	s12 =	simm.s32 @!p0 $0x0  }
0x24: {  	[sflag:s5] =	ssyncset.done $0x0;
	s13 =	sshll.u32 s12, $0xC  }
0x25: {  	[sflag:s5] =	ssyncadd.s32 $0xFFFFF000;
	s16 =	sor.u32 $0x10, s13  }
0x26: {  	s12 =	smul.u32 $0x4080, s12;
	v1 =	vld [tilespmem:s16+$0x0]  }
0x27: {  	s30 =	sand.u32 $0x1, s10;
	v0 =	vld [tilespmem:s16+$0xFFFFFFF0]  }
0x28: {  	s14 =	smul.u32 $0x4080, s30;
	s12 =	sshrl.u32 s12, $0x2  }
0x29: {  	s13 =	sor.u32 $0x2000, s12  }
0x2a: {  	s31 =	sshrl.u32 s14, $0x2;
	s14 =	sadd.s32 $0x0, s13  }
0x2b: {  	s15 =	simm.s32 $0x4;
	s16 =	sadd.s32 $0x20, s16;
	s12 =	sor.u32 $0x2000, s31;
	[tilespmem:s14+$0x810 ss:$0x81] =	vst.msk $0xffff, v1  }
.LBB1_3:
0x2c: {  	v1 =	vld [tilespmem:s16+$0x0];
	p1 =	sne.s32 s15, $0x1FC;
	[tilespmem:s14+$0x0 ss:$0x81] =	vst.msk $0xffff, v0;
	s14 =	smov.u32 s15;
	s15 =	sadd.s32 $0x4, s15  }
.Ltmp3:
0x2d: {  	v0 =	vld [tilespmem:s16+$0xFFFFFFF0];
	(pc) =	sbr.rel @p1 .LBB1_3-.Ltmp3, $4  }
0x2e: {  	_ = 	snop  }
0x2f: {  	s14 =	sshra.s32 s14, $0x2  }
0x30: {  	s14 =	sadd.s32 s14, s13  }
0x31: {  	s16 =	sadd.s32 $0x20, s16;
	[tilespmem:s14+$0x810 ss:$0x81] =	vst.msk $0xffff, v1  }
.Ltmp4:
0x32: {  	_ = 	snop;
	(pc) =	sbr.rel .LBB1_4-.Ltmp4, $1  }
0x33: {  	_ =	sdelay $0x3  }
.LBB1_6:
0x34: {  	_ =	sfence.sel $0x180000  }
0x35: {  	s2 =	simm.s32 $0x1;
	[bflag:$0x0] =	sbarrier.arrive $0xFFFF  }
0x36: {  	s31 =	simm.s32 $0x2;
	[sflag:s2] =	ssyncpa.u1 $0x1  }
0x37: {  	[sflag:s31] =	ssyncpa.u1 $0x1  }
0x38: {  	p0 =	sne.s32 s0, $0x0;
	_ =	strace $0x9000004D  }
0x39: {  	s0 =	sadd.s32 @!p0 $0x100000, s1;
	[bflag:$0x2] =	sbarrier.arrive $0xFFFF  }
0x3a: {  	[sflag:s0] =	ssyncadd.tile.s32 @!p0 $0x1;
	_ =	shalt  }
.Lfunc_end1:
_tile_overlayer_lowered:
.L_overlay_start_2:
0x3b: {  	(tag) =	ssettag $0x2  }
0x3c: {  	s0 =	rddreg [dreg:$0x0];
	s2 =	stileid.u32  }
0x3d: {  	s1 =	rddreg [dreg:$0x1];
	p0 =	sne.s32 s2, $0x0  }
0x3e: {  	s3 =	rddreg [dreg:$0x2];
	[bflag:$0x3] =	sbarrier.arrive $0xFFFF;
	s2 =	simm.s32 @!p0 $0x1C01  }
0x3f: {  	[timem:s3], [sflag:s2] =	dma.local @!p0 [hbm:s0], s1  }
0x40: {  	s0 =	simm.s32 @!p0 $0x1  }
0x41: {  	_ =	swait.ge @!p0 [sflag:s0], s1  }
0x42: {  	s1 =	ssub.s32 @!p0 $0x0, s1;
	[sflag:s0] =	ssyncset.done @!p0 $0x0  }
0x43: {  	[sflag:s0] =	ssyncadd.s32 @!p0 s1  }
0x44: {  	[bflag:$0x3] =	sbarrier.arrive $0xFFFF  }
0x45: {  	_ =	shalt  }

</sc_bundles>
